<compile_context>
chip_gen: v7x
topology: tpu7x:2x2x1
jax: 0.10.2.dev20260603
libtpu: 0.0.44.dev20260713+nightly
codegen_flags: <defaults>
</compile_context>

<pallas_src>
import functools

import jax
import jax.numpy as jnp
from jax import lax
from jax.experimental import pallas as pl
from jax.experimental.pallas import tpu as pltpu
from jax.experimental.pallas import tpu_sc as plsc

N = 10000
E = 320000
D = 128
NC = 2
NS = 16
NW = NC * NS
EPT = E // NW
CH = 80
NCHUNK = EPT // CH
N_PAD = 10240
RPT = N_PAD // NS


def _sum_body(with_cnt, x_hbm, srcg, dstg, zrow, zcnt, ones_hbm, *refs):
    if with_cnt:
        (sums_out, cnt_out, src_idx, dst_idx, rows0, rows1, ones,
         acc, cntacc, sem0, sem1, csem) = refs
    else:
        (sums_out, src_idx, dst_idx, rows0, rows1,
         acc, sem0, sem1) = refs
    cid = lax.axis_index("c")
    sid = lax.axis_index("s")
    wid = cid * NS + sid

    pltpu.sync_copy(zrow, acc.at[pl.ds(sid * RPT, RPT)])
    if with_cnt:
        pltpu.sync_copy(zcnt, cntacc.at[pl.ds(sid * RPT, RPT)])
        pltpu.sync_copy(ones_hbm, ones)
    pltpu.sync_copy(srcg.at[wid], src_idx)
    pltpu.sync_copy(dstg.at[wid], dst_idx)
    plsc.subcore_barrier()

    def gather(j, buf, sem):
        return pltpu.async_copy(
            x_hbm.at[src_idx.at[pl.ds(j * CH, CH)]], buf, sem)

    def scatter(j, buf):
        if with_cnt:
            pltpu.async_copy(ones, cntacc.at[dst_idx.at[j]], csem,
                             add=True)
        pltpu.sync_copy(buf, acc.at[dst_idx.at[j]], add=True)

    def wait(buf, sem):
        pltpu.make_async_copy(x_hbm.at[src_idx.at[pl.ds(0, CH)]],
                              buf, sem).wait()

    gather(0, rows0, sem0)

    def pair_body(t, _):
        j = 2 * t
        gather(j + 1, rows1, sem1)
        wait(rows0, sem0)
        scatter(j, rows0)

        @pl.when(j + 2 < NCHUNK)
        def _():
            gather(j + 2, rows0, sem0)

        wait(rows1, sem1)
        scatter(j + 1, rows1)
        return 0

    lax.fori_loop(0, NCHUNK // 2, pair_body, 0)
    wait(rows0, sem0)
    scatter(NCHUNK - 1, rows0)

    if with_cnt:
        def drain(j, _):
            pltpu.make_async_copy(ones, cntacc.at[dst_idx.at[0]],
                                  csem).wait()
            return 0
        lax.fori_loop(0, NCHUNK, drain, 0)
    plsc.subcore_barrier()

    pltpu.sync_copy(acc.at[pl.ds(sid * RPT, RPT)],
                    sums_out.at[cid].at[pl.ds(sid * RPT, RPT)])
    if with_cnt:
        pltpu.sync_copy(cntacc.at[pl.ds(sid * RPT, RPT)],
                        cnt_out.at[cid].at[pl.ds(sid * RPT, RPT)])


_MESH = plsc.VectorSubcoreMesh(core_axis_name="c", subcore_axis_name="s")


def _make_agg(with_cnt):
    out_type = [jax.ShapeDtypeStruct((NC, N_PAD, D), jnp.float32)]
    scratch = [
        pltpu.VMEM((EPT,), jnp.int32),
        pltpu.VMEM((NCHUNK, CH), jnp.int32),
        pltpu.VMEM((CH, D), jnp.float32),
        pltpu.VMEM((CH, D), jnp.float32),
    ]
    if with_cnt:
        out_type.append(jax.ShapeDtypeStruct((NC, N_PAD), jnp.float32))
        scratch.append(pltpu.VMEM((CH,), jnp.float32))
    scratch.append(pltpu.VMEM_SHARED((N_PAD, D), jnp.float32))
    if with_cnt:
        scratch.append(pltpu.VMEM_SHARED((N_PAD,), jnp.float32))
    scratch += [pltpu.SemaphoreType.DMA, pltpu.SemaphoreType.DMA]
    if with_cnt:
        scratch.append(pltpu.SemaphoreType.DMA)
    return pl.kernel(
        functools.partial(_sum_body, with_cnt),
        out_type=out_type,
        mesh=_MESH,
        scratch_types=scratch,
        name=f"sage_agg{'_cnt' if with_cnt else ''}",
    )


_agg_with_cnt = _make_agg(True)
_agg_no_cnt = _make_agg(False)


def _layer_tc_body(s_ref, c_ref, x_ref, wl_ref, bl_ref, wr_ref, o_ref):
    s = s_ref[0] + s_ref[1]
    c = (c_ref[0, 0, :] + c_ref[0, 1, :])[:, None]
    mean = s / jnp.maximum(c, 1.0)
    acc = jnp.dot(mean, wl_ref[...], preferred_element_type=jnp.float32)
    acc += jnp.dot(x_ref[...], wr_ref[...], preferred_element_type=jnp.float32)
    o_ref[...] = jnp.maximum(acc + bl_ref[...], 0.0)


_TCB = 1024


def _layer_tc(sums, cnts, x, Wlt, bl, Wrt):
    return pl.pallas_call(
        _layer_tc_body,
        grid=(N_PAD // _TCB,),
        in_specs=[
            pl.BlockSpec((NC, _TCB, D), lambda i: (0, i, 0)),
            pl.BlockSpec((1, NC, _TCB), lambda i: (i, 0, 0)),
            pl.BlockSpec((_TCB, D), lambda i: (i, 0)),
            pl.BlockSpec((D, D), lambda i: (0, 0)),
            pl.BlockSpec((1, D), lambda i: (0, 0)),
            pl.BlockSpec((D, D), lambda i: (0, 0)),
        ],
        out_specs=pl.BlockSpec((_TCB, D), lambda i: (i, 0)),
        out_shape=jax.ShapeDtypeStruct((N, D), jnp.float32),
    )(sums, cnts, x, Wlt, bl.reshape(1, D), Wrt)


def kernel(x, edge_index, W1l, b1l, W1r, W2l, b2l, W2r):
    src = edge_index[0].reshape(NW, EPT)
    dst = edge_index[1].reshape(NW, NCHUNK, CH)
    zrow = jnp.zeros((RPT, D), jnp.float32)
    zcnt = jnp.zeros((RPT,), jnp.float32)
    ones = jnp.ones((CH,), jnp.float32)

    sums1, cnt = _agg_with_cnt(x, src, dst, zrow, zcnt, ones)
    cnt_b = cnt.reshape(NC, N_PAD // _TCB, _TCB).transpose(1, 0, 2)
    h = _layer_tc(sums1, cnt_b, x, W1l.T, b1l, W1r.T)
    (sums2,) = _agg_no_cnt(h, src, dst, zrow, zcnt, ones)
    out = _layer_tc(sums2, cnt_b, h, W2l.T, b2l, W2r.T)
    return out

# --- scband reference (transcript-rebuilt; emitter-appended) ---
"""Pipeline reference for scband-gnnauto-model-10488310136964 (READ-ONLY COPY).

The authoritative reference and input builder live on the scoring server;
editing this copy changes nothing except your own understanding.
"""

import jax, jax.numpy as jnp
import numpy as np

N = 10000
E = 320000
D_IN = 128
D_HID = 128
D_OUT = 128


def setup_inputs(seed: int = 0) -> dict:
    key = jax.random.key(seed)
    ks = jax.random.split(key, 8)
    x = jax.random.normal(ks[0], (N, D_IN), dtype=jnp.float32)
    edge_index = jax.random.randint(ks[1], (2, E), 0, N, dtype=jnp.int32)
    s_in = 1.0 / np.sqrt(D_IN)
    s_hid = 1.0 / np.sqrt(D_HID)
    # Layer 1 (SAGEConv): lin_l (neighbor, with bias), lin_r (root, no bias)
    W1l = jax.random.normal(ks[2], (D_HID, D_IN), dtype=jnp.float32) * s_in
    b1l = jnp.zeros((D_HID,), dtype=jnp.float32)
    W1r = jax.random.normal(ks[3], (D_HID, D_IN), dtype=jnp.float32) * s_in
    # Layer 2
    W2l = jax.random.normal(ks[4], (D_OUT, D_HID), dtype=jnp.float32) * s_hid
    b2l = jnp.zeros((D_OUT,), dtype=jnp.float32)
    W2r = jax.random.normal(ks[5], (D_OUT, D_HID), dtype=jnp.float32) * s_hid
    return {"x": x, "edge_index": edge_index, "W1l": W1l, "b1l": b1l, "W1r": W1r, "W2l": W2l, "b2l": b2l, "W2r": W2r}


def _sage_layer(x, edge_index, Wl, bl, Wr):
    # PyG SAGEConv with default mean aggregation:
    #   out = lin_l(mean_{j in N(i)} x_j) + lin_r(x_i)
    src = edge_index[0]
    dst = edge_index[1]
    n = x.shape[0]
    msgs = jnp.take(x, src, axis=0)
    summed = jax.ops.segment_sum(msgs, dst, num_segments=n)
    cnt = jax.ops.segment_sum(jnp.ones((edge_index.shape[1],), dtype=x.dtype), dst, num_segments=n)
    mean = summed / jnp.clip(cnt, 1.0)[:, None]
    return mean @ Wl.T + bl + x @ Wr.T


def reference(x, edge_index, W1l, b1l, W1r, W2l, b2l, W2r):
    h = jax.nn.relu(_sage_layer(x, edge_index, W1l, b1l, W1r))
    out = jax.nn.relu(_sage_layer(h, edge_index, W2l, b2l, W2r))
    return out

if __name__ == "__main__":
    import jax
    _d = setup_inputs()
    print(jax.jit(kernel)(*tuple(_d.values())))

</pallas_src>

<mosaic_0001>
#map = affine_map<(d0, d1) -> (0, 0)>
#map1 = affine_map<(d0, d1) -> (0, 0, 0)>
#map2 = affine_map<(d0, d1) -> (0)>
module attributes {stable_mosaic.version = 14 : i64} {
  func.func @sage_agg_cnt(%arg0: i32, %arg1: i32, %arg2: memref<10000x128xf32, #tpu.memory_space<hbm>>, %arg3: memref<32x10000xi32, #tpu.memory_space<hbm>>, %arg4: memref<32x125x80xi32, #tpu.memory_space<hbm>>, %arg5: memref<640x128xf32, #tpu.memory_space<hbm>>, %arg6: memref<640xf32, #tpu.memory_space<hbm>>, %arg7: memref<80xf32, #tpu.memory_space<hbm>>, %arg8: memref<2x10240x128xf32, #tpu.memory_space<hbm>>, %arg9: memref<2x10240xf32, #tpu.memory_space<hbm>>, %arg10: memref<10000xi32, #tpu.memory_space<vmem>>, %arg11: memref<125x80xi32, #tpu.memory_space<vmem>>, %arg12: memref<80x128xf32, #tpu.memory_space<vmem>>, %arg13: memref<80x128xf32, #tpu.memory_space<vmem>>, %arg14: memref<80xf32, #tpu.memory_space<vmem>>, %arg15: memref<10240x128xf32, #tpu.memory_space<vmem_shared>>, %arg16: memref<10240xf32, #tpu.memory_space<vmem_shared>>, %arg17: memref<!tpu.dma_semaphore, #tpu.memory_space<semaphore_mem>>, %arg18: memref<!tpu.dma_semaphore, #tpu.memory_space<semaphore_mem>>, %arg19: memref<!tpu.dma_semaphore, #tpu.memory_space<semaphore_mem>>) attributes {dimension_semantics = [#tpu.dimension_semantics<core_parallel>, #tpu.dimension_semantics<subcore_parallel>], iteration_bounds = array<i64: 2, 16>, scalar_prefetch = 0 : i64, scratch_operands = 10 : i64, tpu.core_type = #tpu.core_type<sc_vector_subcore>, window_params = [{transform_indices = #map}, {transform_indices = #map}, {transform_indices = #map1}, {transform_indices = #map}, {transform_indices = #map2}, {transform_indices = #map2}, {transform_indices = #map1}, {transform_indices = #map}]} {
    %mul3A = arith.constant 16 : i32
    %mul3A_0 = arith.muli %arg0, %mul3A : i32
    %add3A = arith.addi %mul3A_0, %arg1 : i32
    %mul3A_1 = arith.constant 640 : i32
    %mul3A_2 = arith.muli %arg1, %mul3A_1 : i32
    "tpu.region"() ({
      %run_scoped3A_41 = tpu.sem_alloc : memref<!tpu.dma_semaphore, #tpu.memory_space<semaphore_mem>>
      %dma_start3A_42 = arith.constant 0 : i32
      %dma_start3A_43 = tpu.memref_slice %arg15[%mul3A_2, %dma_start3A_42] : memref<10240x128xf32, #tpu.memory_space<vmem_shared>> -> memref<640x128xf32, #tpu.memory_space<vmem_shared>>
      tpu.enqueue_dma source(%arg5 : memref<640x128xf32, #tpu.memory_space<hbm>>) target(%dma_start3A_43 : memref<640x128xf32, #tpu.memory_space<vmem_shared>>) target_semaphore(%run_scoped3A_41 : memref<!tpu.dma_semaphore, #tpu.memory_space<semaphore_mem>>)
      %dma_wait3A_44 = arith.constant 0 : i32
      %dma_wait3A_45 = tpu.memref_slice %arg15[%mul3A_2, %dma_wait3A_44] : memref<10240x128xf32, #tpu.memory_space<vmem_shared>> -> memref<640x128xf32, #tpu.memory_space<vmem_shared>>
      tpu.wait_dma2 semaphore(%run_scoped3A_41 : memref<!tpu.dma_semaphore, #tpu.memory_space<semaphore_mem>>) src(%arg5 : memref<640x128xf32, #tpu.memory_space<hbm>>) dst(%dma_wait3A_45 : memref<640x128xf32, #tpu.memory_space<vmem_shared>>)
      tpu.yield
    }) : () -> ()
    %mul3A_3 = arith.constant 640 : i32
    %mul3A_4 = arith.muli %arg1, %mul3A_3 : i32
    "tpu.region"() ({
      %run_scoped3A_41 = tpu.sem_alloc : memref<!tpu.dma_semaphore, #tpu.memory_space<semaphore_mem>>
      %dma_start3A_42 = tpu.memref_slice %arg16[%mul3A_4] : memref<10240xf32, #tpu.memory_space<vmem_shared>> -> memref<640xf32, #tpu.memory_space<vmem_shared>>
      tpu.enqueue_dma source(%arg6 : memref<640xf32, #tpu.memory_space<hbm>>) target(%dma_start3A_42 : memref<640xf32, #tpu.memory_space<vmem_shared>>) target_semaphore(%run_scoped3A_41 : memref<!tpu.dma_semaphore, #tpu.memory_space<semaphore_mem>>)
      %dma_wait3A_43 = tpu.memref_slice %arg16[%mul3A_4] : memref<10240xf32, #tpu.memory_space<vmem_shared>> -> memref<640xf32, #tpu.memory_space<vmem_shared>>
      tpu.wait_dma2 semaphore(%run_scoped3A_41 : memref<!tpu.dma_semaphore, #tpu.memory_space<semaphore_mem>>) src(%arg6 : memref<640xf32, #tpu.memory_space<hbm>>) dst(%dma_wait3A_43 : memref<640xf32, #tpu.memory_space<vmem_shared>>)
      tpu.yield
    }) : () -> ()
    "tpu.region"() ({
      %run_scoped3A_41 = tpu.sem_alloc : memref<!tpu.dma_semaphore, #tpu.memory_space<semaphore_mem>>
      tpu.enqueue_dma source(%arg7 : memref<80xf32, #tpu.memory_space<hbm>>) target(%arg14 : memref<80xf32, #tpu.memory_space<vmem>>) target_semaphore(%run_scoped3A_41 : memref<!tpu.dma_semaphore, #tpu.memory_space<semaphore_mem>>)
      tpu.wait_dma2 semaphore(%run_scoped3A_41 : memref<!tpu.dma_semaphore, #tpu.memory_space<semaphore_mem>>) src(%arg7 : memref<80xf32, #tpu.memory_space<hbm>>) dst(%arg14 : memref<80xf32, #tpu.memory_space<vmem>>)
      tpu.yield
    }) : () -> ()
    "tpu.region"() ({
      %run_scoped3A_41 = tpu.sem_alloc : memref<!tpu.dma_semaphore, #tpu.memory_space<semaphore_mem>>
      %dma_start3A_42 = arith.constant 0 : i32
      %dma_start3A_43 = tpu.memref_slice %arg3[%add3A, %dma_start3A_42] : memref<32x10000xi32, #tpu.memory_space<hbm>> -> memref<1x10000xi32, #tpu.memory_space<hbm>>
      %dma_start3A_44 = tpu.memref_squeeze %dma_start3A_43 : memref<1x10000xi32, #tpu.memory_space<hbm>> -> memref<10000xi32, #tpu.memory_space<hbm>>
      %dma_start3A_45 = arith.constant 0 : i32
      %dma_start3A_46 = tpu.memref_slice %arg3[%add3A, %dma_start3A_45] : memref<32x10000xi32, #tpu.memory_space<hbm>> -> memref<1x10000xi32, #tpu.memory_space<hbm>>
      %dma_start3A_47 = tpu.memref_squeeze %dma_start3A_46 : memref<1x10000xi32, #tpu.memory_space<hbm>> -> memref<10000xi32, #tpu.memory_space<hbm>>
      tpu.enqueue_dma source(%dma_start3A_47 : memref<10000xi32, #tpu.memory_space<hbm>>) target(%arg10 : memref<10000xi32, #tpu.memory_space<vmem>>) target_semaphore(%run_scoped3A_41 : memref<!tpu.dma_semaphore, #tpu.memory_space<semaphore_mem>>)
      %dma_wait3A_48 = arith.constant 0 : i32
      %dma_wait3A_49 = tpu.memref_slice %arg3[%add3A, %dma_wait3A_48] : memref<32x10000xi32, #tpu.memory_space<hbm>> -> memref<1x10000xi32, #tpu.memory_space<hbm>>
      %dma_wait3A_50 = tpu.memref_squeeze %dma_wait3A_49 : memref<1x10000xi32, #tpu.memory_space<hbm>> -> memref<10000xi32, #tpu.memory_space<hbm>>
      %dma_wait3A_51 = arith.constant 0 : i32
      %dma_wait3A_52 = tpu.memref_slice %arg3[%add3A, %dma_wait3A_51] : memref<32x10000xi32, #tpu.memory_space<hbm>> -> memref<1x10000xi32, #tpu.memory_space<hbm>>
      %dma_wait3A_53 = tpu.memref_squeeze %dma_wait3A_52 : memref<1x10000xi32, #tpu.memory_space<hbm>> -> memref<10000xi32, #tpu.memory_space<hbm>>
      tpu.wait_dma2 semaphore(%run_scoped3A_41 : memref<!tpu.dma_semaphore, #tpu.memory_space<semaphore_mem>>) src(%dma_wait3A_53 : memref<10000xi32, #tpu.memory_space<hbm>>) dst(%arg10 : memref<10000xi32, #tpu.memory_space<vmem>>)
      tpu.yield
    }) : () -> ()
    "tpu.region"() ({
      %run_scoped3A_41 = tpu.sem_alloc : memref<!tpu.dma_semaphore, #tpu.memory_space<semaphore_mem>>
      %dma_start3A_42 = arith.constant 0 : i32
      %dma_start3A_43 = arith.constant 0 : i32
      %dma_start3A_44 = tpu.memref_slice %arg4[%add3A, %dma_start3A_42, %dma_start3A_43] : memref<32x125x80xi32, #tpu.memory_space<hbm>> -> memref<1x125x80xi32, #tpu.memory_space<hbm>>
      %dma_start3A_45 = tpu.memref_squeeze %dma_start3A_44 : memref<1x125x80xi32, #tpu.memory_space<hbm>> -> memref<125x80xi32, #tpu.memory_space<hbm>>
      %dma_start3A_46 = arith.constant 0 : i32
      %dma_start3A_47 = arith.constant 0 : i32
      %dma_start3A_48 = tpu.memref_slice %arg4[%add3A, %dma_start3A_46, %dma_start3A_47] : memref<32x125x80xi32, #tpu.memory_space<hbm>> -> memref<1x125x80xi32, #tpu.memory_space<hbm>>
      %dma_start3A_49 = tpu.memref_squeeze %dma_start3A_48 : memref<1x125x80xi32, #tpu.memory_space<hbm>> -> memref<125x80xi32, #tpu.memory_space<hbm>>
      tpu.enqueue_dma source(%dma_start3A_49 : memref<125x80xi32, #tpu.memory_space<hbm>>) target(%arg11 : memref<125x80xi32, #tpu.memory_space<vmem>>) target_semaphore(%run_scoped3A_41 : memref<!tpu.dma_semaphore, #tpu.memory_space<semaphore_mem>>)
      %dma_wait3A_50 = arith.constant 0 : i32
      %dma_wait3A_51 = arith.constant 0 : i32
      %dma_wait3A_52 = tpu.memref_slice %arg4[%add3A, %dma_wait3A_50, %dma_wait3A_51] : memref<32x125x80xi32, #tpu.memory_space<hbm>> -> memref<1x125x80xi32, #tpu.memory_space<hbm>>
      %dma_wait3A_53 = tpu.memref_squeeze %dma_wait3A_52 : memref<1x125x80xi32, #tpu.memory_space<hbm>> -> memref<125x80xi32, #tpu.memory_space<hbm>>
      %dma_wait3A_54 = arith.constant 0 : i32
      %dma_wait3A_55 = arith.constant 0 : i32
      %dma_wait3A_56 = tpu.memref_slice %arg4[%add3A, %dma_wait3A_54, %dma_wait3A_55] : memref<32x125x80xi32, #tpu.memory_space<hbm>> -> memref<1x125x80xi32, #tpu.memory_space<hbm>>
      %dma_wait3A_57 = tpu.memref_squeeze %dma_wait3A_56 : memref<1x125x80xi32, #tpu.memory_space<hbm>> -> memref<125x80xi32, #tpu.memory_space<hbm>>
      tpu.wait_dma2 semaphore(%run_scoped3A_41 : memref<!tpu.dma_semaphore, #tpu.memory_space<semaphore_mem>>) src(%dma_wait3A_57 : memref<125x80xi32, #tpu.memory_space<hbm>>) dst(%arg11 : memref<125x80xi32, #tpu.memory_space<vmem>>)
      tpu.yield
    }) : () -> ()
    %barrier3A = arith.constant 0 : index
    tpu.barrier barrier_id(%barrier3A)
    %dma_start3A = arith.constant 0 : i32
    %dma_start3A_5 = tpu.memref_slice %arg10[%dma_start3A] : memref<10000xi32, #tpu.memory_space<vmem>> -> memref<80xi32, #tpu.memory_space<vmem>>
    %dma_start3A_6 = arith.constant 0 : i32
    %dma_start3A_7 = arith.constant 0 : i32
    %dma_start3A_8 = tpu.memref_slice %arg2[%dma_start3A_6, %dma_start3A_7] : memref<10000x128xf32, #tpu.memory_space<hbm>> -> memref<10000x128xf32, #tpu.memory_space<hbm>>
    tpu.enqueue_indirect_dma source(%dma_start3A_8 : memref<10000x128xf32, #tpu.memory_space<hbm>>) target(%arg12 : memref<80x128xf32, #tpu.memory_space<vmem>>) offsets(%dma_start3A_5 : memref<80xi32, #tpu.memory_space<vmem>>) semaphore(%arg17 : memref<!tpu.dma_semaphore, #tpu.memory_space<semaphore_mem>>)
    %scan3A = arith.constant 0 : i32
    %scan3A_9 = arith.constant 0 : i32
    %scan3A_10 = arith.constant 62 : i32
    %scan3A_11 = arith.addi %scan3A_9, %scan3A_10 : i32
    %scan3A_12 = arith.constant 1 : i32
    %scan3A_13 = scf.for %scan3A_41 = %scan3A_9 to %scan3A_11 step %scan3A_12 iter_args(%scan3A_42 = %scan3A) -> (i32)  : i32 {
      %mul3A_43 = arith.constant 2 : i32
      %mul3A_44 = arith.muli %mul3A_43, %scan3A_41 : i32
      %add3A_45 = arith.constant 1 : i32
      %add3A_46 = arith.addi %mul3A_44, %add3A_45 : i32
      %mul3A_47 = arith.constant 80 : i32
      %mul3A_48 = arith.muli %add3A_46, %mul3A_47 : i32
      %dma_start3A_49 = tpu.memref_slice %arg10[%mul3A_48] : memref<10000xi32, #tpu.memory_space<vmem>> -> memref<80xi32, #tpu.memory_space<vmem>>
      %dma_start3A_50 = arith.constant 0 : i32
      %dma_start3A_51 = arith.constant 0 : i32
      %dma_start3A_52 = tpu.memref_slice %arg2[%dma_start3A_50, %dma_start3A_51] : memref<10000x128xf32, #tpu.memory_space<hbm>> -> memref<10000x128xf32, #tpu.memory_space<hbm>>
      tpu.enqueue_indirect_dma source(%dma_start3A_52 : memref<10000x128xf32, #tpu.memory_space<hbm>>) target(%arg13 : memref<80x128xf32, #tpu.memory_space<vmem>>) offsets(%dma_start3A_49 : memref<80xi32, #tpu.memory_space<vmem>>) semaphore(%arg18 : memref<!tpu.dma_semaphore, #tpu.memory_space<semaphore_mem>>)
      %dma_wait3A_53 = arith.constant 0 : i32
      %dma_wait3A_54 = tpu.memref_slice %arg10[%dma_wait3A_53] : memref<10000xi32, #tpu.memory_space<vmem>> -> memref<80xi32, #tpu.memory_space<vmem>>
      %dma_wait3A_55 = arith.constant 0 : i32
      %dma_wait3A_56 = arith.constant 0 : i32
      %dma_wait3A_57 = tpu.memref_slice %arg2[%dma_wait3A_55, %dma_wait3A_56] : memref<10000x128xf32, #tpu.memory_space<hbm>> -> memref<10000x128xf32, #tpu.memory_space<hbm>>
      tpu.wait_indirect_dma semaphore(%arg17 : memref<!tpu.dma_semaphore, #tpu.memory_space<semaphore_mem>>) src(%dma_wait3A_57 : memref<10000x128xf32, #tpu.memory_space<hbm>>) dst(%arg12 : memref<80x128xf32, #tpu.memory_space<vmem>>)
      %dma_start3A_58 = arith.constant 0 : i32
      %dma_start3A_59 = tpu.memref_slice %arg11[%mul3A_44, %dma_start3A_58] : memref<125x80xi32, #tpu.memory_space<vmem>> -> memref<1x80xi32, #tpu.memory_space<vmem>>
      %dma_start3A_60 = tpu.memref_squeeze %dma_start3A_59 : memref<1x80xi32, #tpu.memory_space<vmem>> -> memref<80xi32, #tpu.memory_space<vmem>>
      %dma_start3A_61 = arith.constant 0 : i32
      %dma_start3A_62 = tpu.memref_slice %arg16[%dma_start3A_61] : memref<10240xf32, #tpu.memory_space<vmem_shared>> -> memref<10240xf32, #tpu.memory_space<vmem_shared>>
      tpu.enqueue_indirect_dma source(%arg14 : memref<80xf32, #tpu.memory_space<vmem>>) target(%dma_start3A_62 : memref<10240xf32, #tpu.memory_space<vmem_shared>>) offsets(%dma_start3A_60 : memref<80xi32, #tpu.memory_space<vmem>>) semaphore(%arg19 : memref<!tpu.dma_semaphore, #tpu.memory_space<semaphore_mem>>) {add = true}
      "tpu.region"() ({
        %run_scoped3A_80 = tpu.sem_alloc : memref<!tpu.dma_semaphore, #tpu.memory_space<semaphore_mem>>
        %dma_start3A_81 = arith.constant 0 : i32
        %dma_start3A_82 = tpu.memref_slice %arg11[%mul3A_44, %dma_start3A_81] : memref<125x80xi32, #tpu.memory_space<vmem>> -> memref<1x80xi32, #tpu.memory_space<vmem>>
        %dma_start3A_83 = tpu.memref_squeeze %dma_start3A_82 : memref<1x80xi32, #tpu.memory_space<vmem>> -> memref<80xi32, #tpu.memory_space<vmem>>
        %dma_start3A_84 = arith.constant 0 : i32
        %dma_start3A_85 = arith.constant 0 : i32
        %dma_start3A_86 = tpu.memref_slice %arg15[%dma_start3A_84, %dma_start3A_85] : memref<10240x128xf32, #tpu.memory_space<vmem_shared>> -> memref<10240x128xf32, #tpu.memory_space<vmem_shared>>
        tpu.enqueue_indirect_dma source(%arg12 : memref<80x128xf32, #tpu.memory_space<vmem>>) target(%dma_start3A_86 : memref<10240x128xf32, #tpu.memory_space<vmem_shared>>) offsets(%dma_start3A_83 : memref<80xi32, #tpu.memory_space<vmem>>) semaphore(%run_scoped3A_80 : memref<!tpu.dma_semaphore, #tpu.memory_space<semaphore_mem>>) {add = true}
        %dma_wait3A_87 = arith.constant 0 : i32
        %dma_wait3A_88 = tpu.memref_slice %arg11[%mul3A_44, %dma_wait3A_87] : memref<125x80xi32, #tpu.memory_space<vmem>> -> memref<1x80xi32, #tpu.memory_space<vmem>>
        %dma_wait3A_89 = tpu.memref_squeeze %dma_wait3A_88 : memref<1x80xi32, #tpu.memory_space<vmem>> -> memref<80xi32, #tpu.memory_space<vmem>>
        %dma_wait3A_90 = arith.constant 0 : i32
        %dma_wait3A_91 = arith.constant 0 : i32
        %dma_wait3A_92 = tpu.memref_slice %arg15[%dma_wait3A_90, %dma_wait3A_91] : memref<10240x128xf32, #tpu.memory_space<vmem_shared>> -> memref<10240x128xf32, #tpu.memory_space<vmem_shared>>
        tpu.wait_indirect_dma semaphore(%run_scoped3A_80 : memref<!tpu.dma_semaphore, #tpu.memory_space<semaphore_mem>>) src(%arg12 : memref<80x128xf32, #tpu.memory_space<vmem>>) dst(%dma_wait3A_92 : memref<10240x128xf32, #tpu.memory_space<vmem_shared>>)
        tpu.yield
      }) : () -> ()
      %add3A_63 = arith.constant 2 : i32
      %add3A_64 = arith.addi %mul3A_44, %add3A_63 : i32
      %lt3A = arith.constant 125 : i32
      %lt3A_65 = arith.cmpi slt, %add3A_64, %lt3A : i32
      %convert_element_type3A = arith.extui %lt3A_65 : i1 to i32
      %cond3A = arith.constant 0 : i32
      %cond3A_66 = arith.cmpi ne, %convert_element_type3A, %cond3A : i32
      scf.if %cond3A_66 {
        %add3A_80 = arith.constant 2 : i32
        %add3A_81 = arith.addi %mul3A_44, %add3A_80 : i32
        %mul3A_82 = arith.constant 80 : i32
        %mul3A_83 = arith.muli %add3A_81, %mul3A_82 : i32
        %dma_start3A_84 = tpu.memref_slice %arg10[%mul3A_83] : memref<10000xi32, #tpu.memory_space<vmem>> -> memref<80xi32, #tpu.memory_space<vmem>>
        %dma_start3A_85 = arith.constant 0 : i32
        %dma_start3A_86 = arith.constant 0 : i32
        %dma_start3A_87 = tpu.memref_slice %arg2[%dma_start3A_85, %dma_start3A_86] : memref<10000x128xf32, #tpu.memory_space<hbm>> -> memref<10000x128xf32, #tpu.memory_space<hbm>>
        tpu.enqueue_indirect_dma source(%dma_start3A_87 : memref<10000x128xf32, #tpu.memory_space<hbm>>) target(%arg12 : memref<80x128xf32, #tpu.memory_space<vmem>>) offsets(%dma_start3A_84 : memref<80xi32, #tpu.memory_space<vmem>>) semaphore(%arg17 : memref<!tpu.dma_semaphore, #tpu.memory_space<semaphore_mem>>)
      } else {
      }
      %dma_wait3A_67 = arith.constant 0 : i32
      %dma_wait3A_68 = tpu.memref_slice %arg10[%dma_wait3A_67] : memref<10000xi32, #tpu.memory_space<vmem>> -> memref<80xi32, #tpu.memory_space<vmem>>
      %dma_wait3A_69 = arith.constant 0 : i32
      %dma_wait3A_70 = arith.constant 0 : i32
      %dma_wait3A_71 = tpu.memref_slice %arg2[%dma_wait3A_69, %dma_wait3A_70] : memref<10000x128xf32, #tpu.memory_space<hbm>> -> memref<10000x128xf32, #tpu.memory_space<hbm>>
      tpu.wait_indirect_dma semaphore(%arg18 : memref<!tpu.dma_semaphore, #tpu.memory_space<semaphore_mem>>) src(%dma_wait3A_71 : memref<10000x128xf32, #tpu.memory_space<hbm>>) dst(%arg13 : memref<80x128xf32, #tpu.memory_space<vmem>>)
      %add3A_72 = arith.constant 1 : i32
      %add3A_73 = arith.addi %mul3A_44, %add3A_72 : i32
      %dma_start3A_74 = arith.constant 0 : i32
      %dma_start3A_75 = tpu.memref_slice %arg11[%add3A_73, %dma_start3A_74] : memref<125x80xi32, #tpu.memory_space<vmem>> -> memref<1x80xi32, #tpu.memory_space<vmem>>
      %dma_start3A_76 = tpu.memref_squeeze %dma_start3A_75 : memref<1x80xi32, #tpu.memory_space<vmem>> -> memref<80xi32, #tpu.memory_space<vmem>>
      %dma_start3A_77 = arith.constant 0 : i32
      %dma_start3A_78 = tpu.memref_slice %arg16[%dma_start3A_77] : memref<10240xf32, #tpu.memory_space<vmem_shared>> -> memref<10240xf32, #tpu.memory_space<vmem_shared>>
      tpu.enqueue_indirect_dma source(%arg14 : memref<80xf32, #tpu.memory_space<vmem>>) target(%dma_start3A_78 : memref<10240xf32, #tpu.memory_space<vmem_shared>>) offsets(%dma_start3A_76 : memref<80xi32, #tpu.memory_space<vmem>>) semaphore(%arg19 : memref<!tpu.dma_semaphore, #tpu.memory_space<semaphore_mem>>) {add = true}
      "tpu.region"() ({
        %run_scoped3A_80 = tpu.sem_alloc : memref<!tpu.dma_semaphore, #tpu.memory_space<semaphore_mem>>
        %dma_start3A_81 = arith.constant 0 : i32
        %dma_start3A_82 = tpu.memref_slice %arg11[%add3A_73, %dma_start3A_81] : memref<125x80xi32, #tpu.memory_space<vmem>> -> memref<1x80xi32, #tpu.memory_space<vmem>>
        %dma_start3A_83 = tpu.memref_squeeze %dma_start3A_82 : memref<1x80xi32, #tpu.memory_space<vmem>> -> memref<80xi32, #tpu.memory_space<vmem>>
        %dma_start3A_84 = arith.constant 0 : i32
        %dma_start3A_85 = arith.constant 0 : i32
        %dma_start3A_86 = tpu.memref_slice %arg15[%dma_start3A_84, %dma_start3A_85] : memref<10240x128xf32, #tpu.memory_space<vmem_shared>> -> memref<10240x128xf32, #tpu.memory_space<vmem_shared>>
        tpu.enqueue_indirect_dma source(%arg13 : memref<80x128xf32, #tpu.memory_space<vmem>>) target(%dma_start3A_86 : memref<10240x128xf32, #tpu.memory_space<vmem_shared>>) offsets(%dma_start3A_83 : memref<80xi32, #tpu.memory_space<vmem>>) semaphore(%run_scoped3A_80 : memref<!tpu.dma_semaphore, #tpu.memory_space<semaphore_mem>>) {add = true}
        %dma_wait3A_87 = arith.constant 0 : i32
        %dma_wait3A_88 = tpu.memref_slice %arg11[%add3A_73, %dma_wait3A_87] : memref<125x80xi32, #tpu.memory_space<vmem>> -> memref<1x80xi32, #tpu.memory_space<vmem>>
        %dma_wait3A_89 = tpu.memref_squeeze %dma_wait3A_88 : memref<1x80xi32, #tpu.memory_space<vmem>> -> memref<80xi32, #tpu.memory_space<vmem>>
        %dma_wait3A_90 = arith.constant 0 : i32
        %dma_wait3A_91 = arith.constant 0 : i32
        %dma_wait3A_92 = tpu.memref_slice %arg15[%dma_wait3A_90, %dma_wait3A_91] : memref<10240x128xf32, #tpu.memory_space<vmem_shared>> -> memref<10240x128xf32, #tpu.memory_space<vmem_shared>>
        tpu.wait_indirect_dma semaphore(%run_scoped3A_80 : memref<!tpu.dma_semaphore, #tpu.memory_space<semaphore_mem>>) src(%arg13 : memref<80x128xf32, #tpu.memory_space<vmem>>) dst(%dma_wait3A_92 : memref<10240x128xf32, #tpu.memory_space<vmem_shared>>)
        tpu.yield
      }) : () -> ()
      %scan3A_79 = arith.constant 0 : i32
      scf.yield %scan3A_79 : i32
    }
    %scan3A_14 = arith.constant 62 : i32
    %dma_wait3A = arith.constant 0 : i32
    %dma_wait3A_15 = tpu.memref_slice %arg10[%dma_wait3A] : memref<10000xi32, #tpu.memory_space<vmem>> -> memref<80xi32, #tpu.memory_space<vmem>>
    %dma_wait3A_16 = arith.constant 0 : i32
    %dma_wait3A_17 = arith.constant 0 : i32
    %dma_wait3A_18 = tpu.memref_slice %arg2[%dma_wait3A_16, %dma_wait3A_17] : memref<10000x128xf32, #tpu.memory_space<hbm>> -> memref<10000x128xf32, #tpu.memory_space<hbm>>
    tpu.wait_indirect_dma semaphore(%arg17 : memref<!tpu.dma_semaphore, #tpu.memory_space<semaphore_mem>>) src(%dma_wait3A_18 : memref<10000x128xf32, #tpu.memory_space<hbm>>) dst(%arg12 : memref<80x128xf32, #tpu.memory_space<vmem>>)
    %dma_start3A_19 = arith.constant 124 : i32
    %dma_start3A_20 = arith.constant 0 : i32
    %dma_start3A_21 = tpu.memref_slice %arg11[%dma_start3A_19, %dma_start3A_20] : memref<125x80xi32, #tpu.memory_space<vmem>> -> memref<1x80xi32, #tpu.memory_space<vmem>>
    %dma_start3A_22 = tpu.memref_squeeze %dma_start3A_21 : memref<1x80xi32, #tpu.memory_space<vmem>> -> memref<80xi32, #tpu.memory_space<vmem>>
    %dma_start3A_23 = arith.constant 0 : i32
    %dma_start3A_24 = tpu.memref_slice %arg16[%dma_start3A_23] : memref<10240xf32, #tpu.memory_space<vmem_shared>> -> memref<10240xf32, #tpu.memory_space<vmem_shared>>
    tpu.enqueue_indirect_dma source(%arg14 : memref<80xf32, #tpu.memory_space<vmem>>) target(%dma_start3A_24 : memref<10240xf32, #tpu.memory_space<vmem_shared>>) offsets(%dma_start3A_22 : memref<80xi32, #tpu.memory_space<vmem>>) semaphore(%arg19 : memref<!tpu.dma_semaphore, #tpu.memory_space<semaphore_mem>>) {add = true}
    %run_scoped3A = arith.constant 124 : i32
    "tpu.region"() ({
      %run_scoped3A_41 = tpu.sem_alloc : memref<!tpu.dma_semaphore, #tpu.memory_space<semaphore_mem>>
      %dma_start3A_42 = arith.constant 0 : i32
      %dma_start3A_43 = tpu.memref_slice %arg11[%run_scoped3A, %dma_start3A_42] : memref<125x80xi32, #tpu.memory_space<vmem>> -> memref<1x80xi32, #tpu.memory_space<vmem>>
      %dma_start3A_44 = tpu.memref_squeeze %dma_start3A_43 : memref<1x80xi32, #tpu.memory_space<vmem>> -> memref<80xi32, #tpu.memory_space<vmem>>
      %dma_start3A_45 = arith.constant 0 : i32
      %dma_start3A_46 = arith.constant 0 : i32
      %dma_start3A_47 = tpu.memref_slice %arg15[%dma_start3A_45, %dma_start3A_46] : memref<10240x128xf32, #tpu.memory_space<vmem_shared>> -> memref<10240x128xf32, #tpu.memory_space<vmem_shared>>
      tpu.enqueue_indirect_dma source(%arg12 : memref<80x128xf32, #tpu.memory_space<vmem>>) target(%dma_start3A_47 : memref<10240x128xf32, #tpu.memory_space<vmem_shared>>) offsets(%dma_start3A_44 : memref<80xi32, #tpu.memory_space<vmem>>) semaphore(%run_scoped3A_41 : memref<!tpu.dma_semaphore, #tpu.memory_space<semaphore_mem>>) {add = true}
      %dma_wait3A_48 = arith.constant 0 : i32
      %dma_wait3A_49 = tpu.memref_slice %arg11[%run_scoped3A, %dma_wait3A_48] : memref<125x80xi32, #tpu.memory_space<vmem>> -> memref<1x80xi32, #tpu.memory_space<vmem>>
      %dma_wait3A_50 = tpu.memref_squeeze %dma_wait3A_49 : memref<1x80xi32, #tpu.memory_space<vmem>> -> memref<80xi32, #tpu.memory_space<vmem>>
      %dma_wait3A_51 = arith.constant 0 : i32
      %dma_wait3A_52 = arith.constant 0 : i32
      %dma_wait3A_53 = tpu.memref_slice %arg15[%dma_wait3A_51, %dma_wait3A_52] : memref<10240x128xf32, #tpu.memory_space<vmem_shared>> -> memref<10240x128xf32, #tpu.memory_space<vmem_shared>>
      tpu.wait_indirect_dma semaphore(%run_scoped3A_41 : memref<!tpu.dma_semaphore, #tpu.memory_space<semaphore_mem>>) src(%arg12 : memref<80x128xf32, #tpu.memory_space<vmem>>) dst(%dma_wait3A_53 : memref<10240x128xf32, #tpu.memory_space<vmem_shared>>)
      tpu.yield
    }) : () -> ()
    %scan3A_25 = arith.constant 0 : i32
    %scan3A_26 = arith.constant 0 : i32
    %scan3A_27 = arith.constant 125 : i32
    %scan3A_28 = arith.addi %scan3A_26, %scan3A_27 : i32
    %scan3A_29 = arith.constant 1 : i32
    %scan3A_30 = scf.for %scan3A_41 = %scan3A_26 to %scan3A_28 step %scan3A_29 iter_args(%scan3A_42 = %scan3A_25) -> (i32)  : i32 {
      %dma_wait3A_43 = arith.constant 0 : i32
      %dma_wait3A_44 = arith.constant 0 : i32
      %dma_wait3A_45 = tpu.memref_slice %arg11[%dma_wait3A_43, %dma_wait3A_44] : memref<125x80xi32, #tpu.memory_space<vmem>> -> memref<1x80xi32, #tpu.memory_space<vmem>>
      %dma_wait3A_46 = tpu.memref_squeeze %dma_wait3A_45 : memref<1x80xi32, #tpu.memory_space<vmem>> -> memref<80xi32, #tpu.memory_space<vmem>>
      %dma_wait3A_47 = arith.constant 0 : i32
      %dma_wait3A_48 = tpu.memref_slice %arg16[%dma_wait3A_47] : memref<10240xf32, #tpu.memory_space<vmem_shared>> -> memref<10240xf32, #tpu.memory_space<vmem_shared>>
      tpu.wait_indirect_dma semaphore(%arg19 : memref<!tpu.dma_semaphore, #tpu.memory_space<semaphore_mem>>) src(%arg14 : memref<80xf32, #tpu.memory_space<vmem>>) dst(%dma_wait3A_48 : memref<10240xf32, #tpu.memory_space<vmem_shared>>)
      %scan3A_49 = arith.constant 0 : i32
      scf.yield %scan3A_49 : i32
    }
    %scan3A_31 = arith.constant 125 : i32
    %barrier3A_32 = arith.constant 0 : index
    tpu.barrier barrier_id(%barrier3A_32)
    %mul3A_33 = arith.constant 640 : i32
    %mul3A_34 = arith.muli %arg1, %mul3A_33 : i32
    %mul3A_35 = arith.constant 640 : i32
    %mul3A_36 = arith.muli %arg1, %mul3A_35 : i32
    "tpu.region"() ({
      %run_scoped3A_41 = tpu.sem_alloc : memref<!tpu.dma_semaphore, #tpu.memory_space<semaphore_mem>>
      %dma_start3A_42 = arith.constant 0 : i32
      %dma_start3A_43 = arith.constant 0 : i32
      %dma_start3A_44 = tpu.memref_slice %arg8[%arg0, %dma_start3A_42, %dma_start3A_43] : memref<2x10240x128xf32, #tpu.memory_space<hbm>> -> memref<1x10240x128xf32, #tpu.memory_space<hbm>>
      %dma_start3A_45 = tpu.memref_squeeze %dma_start3A_44 : memref<1x10240x128xf32, #tpu.memory_space<hbm>> -> memref<10240x128xf32, #tpu.memory_space<hbm>>
      %dma_start3A_46 = arith.constant 0 : i32
      %dma_start3A_47 = tpu.memref_slice %dma_start3A_45[%mul3A_36, %dma_start3A_46] : memref<10240x128xf32, #tpu.memory_space<hbm>> -> memref<640x128xf32, #tpu.memory_space<hbm>>
      %dma_start3A_48 = arith.constant 0 : i32
      %dma_start3A_49 = tpu.memref_slice %arg15[%mul3A_34, %dma_start3A_48] : memref<10240x128xf32, #tpu.memory_space<vmem_shared>> -> memref<640x128xf32, #tpu.memory_space<vmem_shared>>
      tpu.enqueue_dma source(%dma_start3A_49 : memref<640x128xf32, #tpu.memory_space<vmem_shared>>) target(%dma_start3A_47 : memref<640x128xf32, #tpu.memory_space<hbm>>) target_semaphore(%run_scoped3A_41 : memref<!tpu.dma_semaphore, #tpu.memory_space<semaphore_mem>>)
      %dma_wait3A_50 = arith.constant 0 : i32
      %dma_wait3A_51 = arith.constant 0 : i32
      %dma_wait3A_52 = tpu.memref_slice %arg8[%arg0, %dma_wait3A_50, %dma_wait3A_51] : memref<2x10240x128xf32, #tpu.memory_space<hbm>> -> memref<1x10240x128xf32, #tpu.memory_space<hbm>>
      %dma_wait3A_53 = tpu.memref_squeeze %dma_wait3A_52 : memref<1x10240x128xf32, #tpu.memory_space<hbm>> -> memref<10240x128xf32, #tpu.memory_space<hbm>>
      %dma_wait3A_54 = arith.constant 0 : i32
      %dma_wait3A_55 = tpu.memref_slice %dma_wait3A_53[%mul3A_36, %dma_wait3A_54] : memref<10240x128xf32, #tpu.memory_space<hbm>> -> memref<640x128xf32, #tpu.memory_space<hbm>>
      %dma_wait3A_56 = arith.constant 0 : i32
      %dma_wait3A_57 = tpu.memref_slice %arg15[%mul3A_34, %dma_wait3A_56] : memref<10240x128xf32, #tpu.memory_space<vmem_shared>> -> memref<640x128xf32, #tpu.memory_space<vmem_shared>>
      tpu.wait_dma2 semaphore(%run_scoped3A_41 : memref<!tpu.dma_semaphore, #tpu.memory_space<semaphore_mem>>) src(%dma_wait3A_57 : memref<640x128xf32, #tpu.memory_space<vmem_shared>>) dst(%dma_wait3A_55 : memref<640x128xf32, #tpu.memory_space<hbm>>)
      tpu.yield
    }) : () -> ()
    %mul3A_37 = arith.constant 640 : i32
    %mul3A_38 = arith.muli %arg1, %mul3A_37 : i32
    %mul3A_39 = arith.constant 640 : i32
    %mul3A_40 = arith.muli %arg1, %mul3A_39 : i32
    "tpu.region"() ({
      %run_scoped3A_41 = tpu.sem_alloc : memref<!tpu.dma_semaphore, #tpu.memory_space<semaphore_mem>>
      %dma_start3A_42 = arith.constant 0 : i32
      %dma_start3A_43 = tpu.memref_slice %arg9[%arg0, %dma_start3A_42] : memref<2x10240xf32, #tpu.memory_space<hbm>> -> memref<1x10240xf32, #tpu.memory_space<hbm>>
      %dma_start3A_44 = tpu.memref_squeeze %dma_start3A_43 : memref<1x10240xf32, #tpu.memory_space<hbm>> -> memref<10240xf32, #tpu.memory_space<hbm>>
      %dma_start3A_45 = tpu.memref_slice %dma_start3A_44[%mul3A_40] : memref<10240xf32, #tpu.memory_space<hbm>> -> memref<640xf32, #tpu.memory_space<hbm>>
      %dma_start3A_46 = tpu.memref_slice %arg16[%mul3A_38] : memref<10240xf32, #tpu.memory_space<vmem_shared>> -> memref<640xf32, #tpu.memory_space<vmem_shared>>
      tpu.enqueue_dma source(%dma_start3A_46 : memref<640xf32, #tpu.memory_space<vmem_shared>>) target(%dma_start3A_45 : memref<640xf32, #tpu.memory_space<hbm>>) target_semaphore(%run_scoped3A_41 : memref<!tpu.dma_semaphore, #tpu.memory_space<semaphore_mem>>)
      %dma_wait3A_47 = arith.constant 0 : i32
      %dma_wait3A_48 = tpu.memref_slice %arg9[%arg0, %dma_wait3A_47] : memref<2x10240xf32, #tpu.memory_space<hbm>> -> memref<1x10240xf32, #tpu.memory_space<hbm>>
      %dma_wait3A_49 = tpu.memref_squeeze %dma_wait3A_48 : memref<1x10240xf32, #tpu.memory_space<hbm>> -> memref<10240xf32, #tpu.memory_space<hbm>>
      %dma_wait3A_50 = tpu.memref_slice %dma_wait3A_49[%mul3A_40] : memref<10240xf32, #tpu.memory_space<hbm>> -> memref<640xf32, #tpu.memory_space<hbm>>
      %dma_wait3A_51 = tpu.memref_slice %arg16[%mul3A_38] : memref<10240xf32, #tpu.memory_space<vmem_shared>> -> memref<640xf32, #tpu.memory_space<vmem_shared>>
      tpu.wait_dma2 semaphore(%run_scoped3A_41 : memref<!tpu.dma_semaphore, #tpu.memory_space<semaphore_mem>>) src(%dma_wait3A_51 : memref<640xf32, #tpu.memory_space<vmem_shared>>) dst(%dma_wait3A_50 : memref<640xf32, #tpu.memory_space<hbm>>)
      tpu.yield
    }) : () -> ()
    return
  }
}

#map = affine_map<(d0, d1) -> (0, 0)>
#map1 = affine_map<(d0, d1) -> (0, 0, 0)>
#map2 = affine_map<(d0, d1) -> (0)>
module attributes {stable_mosaic.version = 14 : i64} {
  func.func @sage_agg(%arg0: i32, %arg1: i32, %arg2: memref<10000x128xf32, #tpu.memory_space<hbm>>, %arg3: memref<32x10000xi32, #tpu.memory_space<hbm>>, %arg4: memref<32x125x80xi32, #tpu.memory_space<hbm>>, %arg5: memref<640x128xf32, #tpu.memory_space<hbm>>, %arg6: memref<640xf32, #tpu.memory_space<hbm>>, %arg7: memref<80xf32, #tpu.memory_space<hbm>>, %arg8: memref<2x10240x128xf32, #tpu.memory_space<hbm>>, %arg9: memref<10000xi32, #tpu.memory_space<vmem>>, %arg10: memref<125x80xi32, #tpu.memory_space<vmem>>, %arg11: memref<80x128xf32, #tpu.memory_space<vmem>>, %arg12: memref<80x128xf32, #tpu.memory_space<vmem>>, %arg13: memref<10240x128xf32, #tpu.memory_space<vmem_shared>>, %arg14: memref<!tpu.dma_semaphore, #tpu.memory_space<semaphore_mem>>, %arg15: memref<!tpu.dma_semaphore, #tpu.memory_space<semaphore_mem>>) attributes {dimension_semantics = [#tpu.dimension_semantics<core_parallel>, #tpu.dimension_semantics<subcore_parallel>], iteration_bounds = array<i64: 2, 16>, scalar_prefetch = 0 : i64, scratch_operands = 7 : i64, tpu.core_type = #tpu.core_type<sc_vector_subcore>, window_params = [{transform_indices = #map}, {transform_indices = #map}, {transform_indices = #map1}, {transform_indices = #map}, {transform_indices = #map2}, {transform_indices = #map2}, {transform_indices = #map1}]} {
    %mul3A = arith.constant 16 : i32
    %mul3A_0 = arith.muli %arg0, %mul3A : i32
    %add3A = arith.addi %mul3A_0, %arg1 : i32
    %mul3A_1 = arith.constant 640 : i32
    %mul3A_2 = arith.muli %arg1, %mul3A_1 : i32
    "tpu.region"() ({
      %run_scoped3A_22 = tpu.sem_alloc : memref<!tpu.dma_semaphore, #tpu.memory_space<semaphore_mem>>
      %dma_start3A_23 = arith.constant 0 : i32
      %dma_start3A_24 = tpu.memref_slice %arg13[%mul3A_2, %dma_start3A_23] : memref<10240x128xf32, #tpu.memory_space<vmem_shared>> -> memref<640x128xf32, #tpu.memory_space<vmem_shared>>
      tpu.enqueue_dma source(%arg5 : memref<640x128xf32, #tpu.memory_space<hbm>>) target(%dma_start3A_24 : memref<640x128xf32, #tpu.memory_space<vmem_shared>>) target_semaphore(%run_scoped3A_22 : memref<!tpu.dma_semaphore, #tpu.memory_space<semaphore_mem>>)
      %dma_wait3A_25 = arith.constant 0 : i32
      %dma_wait3A_26 = tpu.memref_slice %arg13[%mul3A_2, %dma_wait3A_25] : memref<10240x128xf32, #tpu.memory_space<vmem_shared>> -> memref<640x128xf32, #tpu.memory_space<vmem_shared>>
      tpu.wait_dma2 semaphore(%run_scoped3A_22 : memref<!tpu.dma_semaphore, #tpu.memory_space<semaphore_mem>>) src(%arg5 : memref<640x128xf32, #tpu.memory_space<hbm>>) dst(%dma_wait3A_26 : memref<640x128xf32, #tpu.memory_space<vmem_shared>>)
      tpu.yield
    }) : () -> ()
    "tpu.region"() ({
      %run_scoped3A_22 = tpu.sem_alloc : memref<!tpu.dma_semaphore, #tpu.memory_space<semaphore_mem>>
      %dma_start3A_23 = arith.constant 0 : i32
      %dma_start3A_24 = tpu.memref_slice %arg3[%add3A, %dma_start3A_23] : memref<32x10000xi32, #tpu.memory_space<hbm>> -> memref<1x10000xi32, #tpu.memory_space<hbm>>
      %dma_start3A_25 = tpu.memref_squeeze %dma_start3A_24 : memref<1x10000xi32, #tpu.memory_space<hbm>> -> memref<10000xi32, #tpu.memory_space<hbm>>
      %dma_start3A_26 = arith.constant 0 : i32
      %dma_start3A_27 = tpu.memref_slice %arg3[%add3A, %dma_start3A_26] : memref<32x10000xi32, #tpu.memory_space<hbm>> -> memref<1x10000xi32, #tpu.memory_space<hbm>>
      %dma_start3A_28 = tpu.memref_squeeze %dma_start3A_27 : memref<1x10000xi32, #tpu.memory_space<hbm>> -> memref<10000xi32, #tpu.memory_space<hbm>>
      tpu.enqueue_dma source(%dma_start3A_28 : memref<10000xi32, #tpu.memory_space<hbm>>) target(%arg9 : memref<10000xi32, #tpu.memory_space<vmem>>) target_semaphore(%run_scoped3A_22 : memref<!tpu.dma_semaphore, #tpu.memory_space<semaphore_mem>>)
      %dma_wait3A_29 = arith.constant 0 : i32
      %dma_wait3A_30 = tpu.memref_slice %arg3[%add3A, %dma_wait3A_29] : memref<32x10000xi32, #tpu.memory_space<hbm>> -> memref<1x10000xi32, #tpu.memory_space<hbm>>
      %dma_wait3A_31 = tpu.memref_squeeze %dma_wait3A_30 : memref<1x10000xi32, #tpu.memory_space<hbm>> -> memref<10000xi32, #tpu.memory_space<hbm>>
      %dma_wait3A_32 = arith.constant 0 : i32
      %dma_wait3A_33 = tpu.memref_slice %arg3[%add3A, %dma_wait3A_32] : memref<32x10000xi32, #tpu.memory_space<hbm>> -> memref<1x10000xi32, #tpu.memory_space<hbm>>
      %dma_wait3A_34 = tpu.memref_squeeze %dma_wait3A_33 : memref<1x10000xi32, #tpu.memory_space<hbm>> -> memref<10000xi32, #tpu.memory_space<hbm>>
      tpu.wait_dma2 semaphore(%run_scoped3A_22 : memref<!tpu.dma_semaphore, #tpu.memory_space<semaphore_mem>>) src(%dma_wait3A_34 : memref<10000xi32, #tpu.memory_space<hbm>>) dst(%arg9 : memref<10000xi32, #tpu.memory_space<vmem>>)
      tpu.yield
    }) : () -> ()
    "tpu.region"() ({
      %run_scoped3A_22 = tpu.sem_alloc : memref<!tpu.dma_semaphore, #tpu.memory_space<semaphore_mem>>
      %dma_start3A_23 = arith.constant 0 : i32
      %dma_start3A_24 = arith.constant 0 : i32
      %dma_start3A_25 = tpu.memref_slice %arg4[%add3A, %dma_start3A_23, %dma_start3A_24] : memref<32x125x80xi32, #tpu.memory_space<hbm>> -> memref<1x125x80xi32, #tpu.memory_space<hbm>>
      %dma_start3A_26 = tpu.memref_squeeze %dma_start3A_25 : memref<1x125x80xi32, #tpu.memory_space<hbm>> -> memref<125x80xi32, #tpu.memory_space<hbm>>
      %dma_start3A_27 = arith.constant 0 : i32
      %dma_start3A_28 = arith.constant 0 : i32
      %dma_start3A_29 = tpu.memref_slice %arg4[%add3A, %dma_start3A_27, %dma_start3A_28] : memref<32x125x80xi32, #tpu.memory_space<hbm>> -> memref<1x125x80xi32, #tpu.memory_space<hbm>>
      %dma_start3A_30 = tpu.memref_squeeze %dma_start3A_29 : memref<1x125x80xi32, #tpu.memory_space<hbm>> -> memref<125x80xi32, #tpu.memory_space<hbm>>
      tpu.enqueue_dma source(%dma_start3A_30 : memref<125x80xi32, #tpu.memory_space<hbm>>) target(%arg10 : memref<125x80xi32, #tpu.memory_space<vmem>>) target_semaphore(%run_scoped3A_22 : memref<!tpu.dma_semaphore, #tpu.memory_space<semaphore_mem>>)
      %dma_wait3A_31 = arith.constant 0 : i32
      %dma_wait3A_32 = arith.constant 0 : i32
      %dma_wait3A_33 = tpu.memref_slice %arg4[%add3A, %dma_wait3A_31, %dma_wait3A_32] : memref<32x125x80xi32, #tpu.memory_space<hbm>> -> memref<1x125x80xi32, #tpu.memory_space<hbm>>
      %dma_wait3A_34 = tpu.memref_squeeze %dma_wait3A_33 : memref<1x125x80xi32, #tpu.memory_space<hbm>> -> memref<125x80xi32, #tpu.memory_space<hbm>>
      %dma_wait3A_35 = arith.constant 0 : i32
      %dma_wait3A_36 = arith.constant 0 : i32
      %dma_wait3A_37 = tpu.memref_slice %arg4[%add3A, %dma_wait3A_35, %dma_wait3A_36] : memref<32x125x80xi32, #tpu.memory_space<hbm>> -> memref<1x125x80xi32, #tpu.memory_space<hbm>>
      %dma_wait3A_38 = tpu.memref_squeeze %dma_wait3A_37 : memref<1x125x80xi32, #tpu.memory_space<hbm>> -> memref<125x80xi32, #tpu.memory_space<hbm>>
      tpu.wait_dma2 semaphore(%run_scoped3A_22 : memref<!tpu.dma_semaphore, #tpu.memory_space<semaphore_mem>>) src(%dma_wait3A_38 : memref<125x80xi32, #tpu.memory_space<hbm>>) dst(%arg10 : memref<125x80xi32, #tpu.memory_space<vmem>>)
      tpu.yield
    }) : () -> ()
    %barrier3A = arith.constant 0 : index
    tpu.barrier barrier_id(%barrier3A)
    %dma_start3A = arith.constant 0 : i32
    %dma_start3A_3 = tpu.memref_slice %arg9[%dma_start3A] : memref<10000xi32, #tpu.memory_space<vmem>> -> memref<80xi32, #tpu.memory_space<vmem>>
    %dma_start3A_4 = arith.constant 0 : i32
    %dma_start3A_5 = arith.constant 0 : i32
    %dma_start3A_6 = tpu.memref_slice %arg2[%dma_start3A_4, %dma_start3A_5] : memref<10000x128xf32, #tpu.memory_space<hbm>> -> memref<10000x128xf32, #tpu.memory_space<hbm>>
    tpu.enqueue_indirect_dma source(%dma_start3A_6 : memref<10000x128xf32, #tpu.memory_space<hbm>>) target(%arg11 : memref<80x128xf32, #tpu.memory_space<vmem>>) offsets(%dma_start3A_3 : memref<80xi32, #tpu.memory_space<vmem>>) semaphore(%arg14 : memref<!tpu.dma_semaphore, #tpu.memory_space<semaphore_mem>>)
    %scan3A = arith.constant 0 : i32
    %scan3A_7 = arith.constant 0 : i32
    %scan3A_8 = arith.constant 62 : i32
    %scan3A_9 = arith.addi %scan3A_7, %scan3A_8 : i32
    %scan3A_10 = arith.constant 1 : i32
    %scan3A_11 = scf.for %scan3A_22 = %scan3A_7 to %scan3A_9 step %scan3A_10 iter_args(%scan3A_23 = %scan3A) -> (i32)  : i32 {
      %mul3A_24 = arith.constant 2 : i32
      %mul3A_25 = arith.muli %mul3A_24, %scan3A_22 : i32
      %add3A_26 = arith.constant 1 : i32
      %add3A_27 = arith.addi %mul3A_25, %add3A_26 : i32
      %mul3A_28 = arith.constant 80 : i32
      %mul3A_29 = arith.muli %add3A_27, %mul3A_28 : i32
      %dma_start3A_30 = tpu.memref_slice %arg9[%mul3A_29] : memref<10000xi32, #tpu.memory_space<vmem>> -> memref<80xi32, #tpu.memory_space<vmem>>
      %dma_start3A_31 = arith.constant 0 : i32
      %dma_start3A_32 = arith.constant 0 : i32
      %dma_start3A_33 = tpu.memref_slice %arg2[%dma_start3A_31, %dma_start3A_32] : memref<10000x128xf32, #tpu.memory_space<hbm>> -> memref<10000x128xf32, #tpu.memory_space<hbm>>
      tpu.enqueue_indirect_dma source(%dma_start3A_33 : memref<10000x128xf32, #tpu.memory_space<hbm>>) target(%arg12 : memref<80x128xf32, #tpu.memory_space<vmem>>) offsets(%dma_start3A_30 : memref<80xi32, #tpu.memory_space<vmem>>) semaphore(%arg15 : memref<!tpu.dma_semaphore, #tpu.memory_space<semaphore_mem>>)
      %dma_wait3A_34 = arith.constant 0 : i32
      %dma_wait3A_35 = tpu.memref_slice %arg9[%dma_wait3A_34] : memref<10000xi32, #tpu.memory_space<vmem>> -> memref<80xi32, #tpu.memory_space<vmem>>
      %dma_wait3A_36 = arith.constant 0 : i32
      %dma_wait3A_37 = arith.constant 0 : i32
      %dma_wait3A_38 = tpu.memref_slice %arg2[%dma_wait3A_36, %dma_wait3A_37] : memref<10000x128xf32, #tpu.memory_space<hbm>> -> memref<10000x128xf32, #tpu.memory_space<hbm>>
      tpu.wait_indirect_dma semaphore(%arg14 : memref<!tpu.dma_semaphore, #tpu.memory_space<semaphore_mem>>) src(%dma_wait3A_38 : memref<10000x128xf32, #tpu.memory_space<hbm>>) dst(%arg11 : memref<80x128xf32, #tpu.memory_space<vmem>>)
      "tpu.region"() ({
        %run_scoped3A_51 = tpu.sem_alloc : memref<!tpu.dma_semaphore, #tpu.memory_space<semaphore_mem>>
        %dma_start3A_52 = arith.constant 0 : i32
        %dma_start3A_53 = tpu.memref_slice %arg10[%mul3A_25, %dma_start3A_52] : memref<125x80xi32, #tpu.memory_space<vmem>> -> memref<1x80xi32, #tpu.memory_space<vmem>>
        %dma_start3A_54 = tpu.memref_squeeze %dma_start3A_53 : memref<1x80xi32, #tpu.memory_space<vmem>> -> memref<80xi32, #tpu.memory_space<vmem>>
        %dma_start3A_55 = arith.constant 0 : i32
        %dma_start3A_56 = arith.constant 0 : i32
        %dma_start3A_57 = tpu.memref_slice %arg13[%dma_start3A_55, %dma_start3A_56] : memref<10240x128xf32, #tpu.memory_space<vmem_shared>> -> memref<10240x128xf32, #tpu.memory_space<vmem_shared>>
        tpu.enqueue_indirect_dma source(%arg11 : memref<80x128xf32, #tpu.memory_space<vmem>>) target(%dma_start3A_57 : memref<10240x128xf32, #tpu.memory_space<vmem_shared>>) offsets(%dma_start3A_54 : memref<80xi32, #tpu.memory_space<vmem>>) semaphore(%run_scoped3A_51 : memref<!tpu.dma_semaphore, #tpu.memory_space<semaphore_mem>>) {add = true}
        %dma_wait3A_58 = arith.constant 0 : i32
        %dma_wait3A_59 = tpu.memref_slice %arg10[%mul3A_25, %dma_wait3A_58] : memref<125x80xi32, #tpu.memory_space<vmem>> -> memref<1x80xi32, #tpu.memory_space<vmem>>
        %dma_wait3A_60 = tpu.memref_squeeze %dma_wait3A_59 : memref<1x80xi32, #tpu.memory_space<vmem>> -> memref<80xi32, #tpu.memory_space<vmem>>
        %dma_wait3A_61 = arith.constant 0 : i32
        %dma_wait3A_62 = arith.constant 0 : i32
        %dma_wait3A_63 = tpu.memref_slice %arg13[%dma_wait3A_61, %dma_wait3A_62] : memref<10240x128xf32, #tpu.memory_space<vmem_shared>> -> memref<10240x128xf32, #tpu.memory_space<vmem_shared>>
        tpu.wait_indirect_dma semaphore(%run_scoped3A_51 : memref<!tpu.dma_semaphore, #tpu.memory_space<semaphore_mem>>) src(%arg11 : memref<80x128xf32, #tpu.memory_space<vmem>>) dst(%dma_wait3A_63 : memref<10240x128xf32, #tpu.memory_space<vmem_shared>>)
        tpu.yield
      }) : () -> ()
      %add3A_39 = arith.constant 2 : i32
      %add3A_40 = arith.addi %mul3A_25, %add3A_39 : i32
      %lt3A = arith.constant 125 : i32
      %lt3A_41 = arith.cmpi slt, %add3A_40, %lt3A : i32
      %convert_element_type3A = arith.extui %lt3A_41 : i1 to i32
      %cond3A = arith.constant 0 : i32
      %cond3A_42 = arith.cmpi ne, %convert_element_type3A, %cond3A : i32
      scf.if %cond3A_42 {
        %add3A_51 = arith.constant 2 : i32
        %add3A_52 = arith.addi %mul3A_25, %add3A_51 : i32
        %mul3A_53 = arith.constant 80 : i32
        %mul3A_54 = arith.muli %add3A_52, %mul3A_53 : i32
        %dma_start3A_55 = tpu.memref_slice %arg9[%mul3A_54] : memref<10000xi32, #tpu.memory_space<vmem>> -> memref<80xi32, #tpu.memory_space<vmem>>
        %dma_start3A_56 = arith.constant 0 : i32
        %dma_start3A_57 = arith.constant 0 : i32
        %dma_start3A_58 = tpu.memref_slice %arg2[%dma_start3A_56, %dma_start3A_57] : memref<10000x128xf32, #tpu.memory_space<hbm>> -> memref<10000x128xf32, #tpu.memory_space<hbm>>
        tpu.enqueue_indirect_dma source(%dma_start3A_58 : memref<10000x128xf32, #tpu.memory_space<hbm>>) target(%arg11 : memref<80x128xf32, #tpu.memory_space<vmem>>) offsets(%dma_start3A_55 : memref<80xi32, #tpu.memory_space<vmem>>) semaphore(%arg14 : memref<!tpu.dma_semaphore, #tpu.memory_space<semaphore_mem>>)
      } else {
      }
      %dma_wait3A_43 = arith.constant 0 : i32
      %dma_wait3A_44 = tpu.memref_slice %arg9[%dma_wait3A_43] : memref<10000xi32, #tpu.memory_space<vmem>> -> memref<80xi32, #tpu.memory_space<vmem>>
      %dma_wait3A_45 = arith.constant 0 : i32
      %dma_wait3A_46 = arith.constant 0 : i32
      %dma_wait3A_47 = tpu.memref_slice %arg2[%dma_wait3A_45, %dma_wait3A_46] : memref<10000x128xf32, #tpu.memory_space<hbm>> -> memref<10000x128xf32, #tpu.memory_space<hbm>>
      tpu.wait_indirect_dma semaphore(%arg15 : memref<!tpu.dma_semaphore, #tpu.memory_space<semaphore_mem>>) src(%dma_wait3A_47 : memref<10000x128xf32, #tpu.memory_space<hbm>>) dst(%arg12 : memref<80x128xf32, #tpu.memory_space<vmem>>)
      %add3A_48 = arith.constant 1 : i32
      %add3A_49 = arith.addi %mul3A_25, %add3A_48 : i32
      "tpu.region"() ({
        %run_scoped3A_51 = tpu.sem_alloc : memref<!tpu.dma_semaphore, #tpu.memory_space<semaphore_mem>>
        %dma_start3A_52 = arith.constant 0 : i32
        %dma_start3A_53 = tpu.memref_slice %arg10[%add3A_49, %dma_start3A_52] : memref<125x80xi32, #tpu.memory_space<vmem>> -> memref<1x80xi32, #tpu.memory_space<vmem>>
        %dma_start3A_54 = tpu.memref_squeeze %dma_start3A_53 : memref<1x80xi32, #tpu.memory_space<vmem>> -> memref<80xi32, #tpu.memory_space<vmem>>
        %dma_start3A_55 = arith.constant 0 : i32
        %dma_start3A_56 = arith.constant 0 : i32
        %dma_start3A_57 = tpu.memref_slice %arg13[%dma_start3A_55, %dma_start3A_56] : memref<10240x128xf32, #tpu.memory_space<vmem_shared>> -> memref<10240x128xf32, #tpu.memory_space<vmem_shared>>
        tpu.enqueue_indirect_dma source(%arg12 : memref<80x128xf32, #tpu.memory_space<vmem>>) target(%dma_start3A_57 : memref<10240x128xf32, #tpu.memory_space<vmem_shared>>) offsets(%dma_start3A_54 : memref<80xi32, #tpu.memory_space<vmem>>) semaphore(%run_scoped3A_51 : memref<!tpu.dma_semaphore, #tpu.memory_space<semaphore_mem>>) {add = true}
        %dma_wait3A_58 = arith.constant 0 : i32
        %dma_wait3A_59 = tpu.memref_slice %arg10[%add3A_49, %dma_wait3A_58] : memref<125x80xi32, #tpu.memory_space<vmem>> -> memref<1x80xi32, #tpu.memory_space<vmem>>
        %dma_wait3A_60 = tpu.memref_squeeze %dma_wait3A_59 : memref<1x80xi32, #tpu.memory_space<vmem>> -> memref<80xi32, #tpu.memory_space<vmem>>
        %dma_wait3A_61 = arith.constant 0 : i32
        %dma_wait3A_62 = arith.constant 0 : i32
        %dma_wait3A_63 = tpu.memref_slice %arg13[%dma_wait3A_61, %dma_wait3A_62] : memref<10240x128xf32, #tpu.memory_space<vmem_shared>> -> memref<10240x128xf32, #tpu.memory_space<vmem_shared>>
        tpu.wait_indirect_dma semaphore(%run_scoped3A_51 : memref<!tpu.dma_semaphore, #tpu.memory_space<semaphore_mem>>) src(%arg12 : memref<80x128xf32, #tpu.memory_space<vmem>>) dst(%dma_wait3A_63 : memref<10240x128xf32, #tpu.memory_space<vmem_shared>>)
        tpu.yield
      }) : () -> ()
      %scan3A_50 = arith.constant 0 : i32
      scf.yield %scan3A_50 : i32
    }
    %scan3A_12 = arith.constant 62 : i32
    %dma_wait3A = arith.constant 0 : i32
    %dma_wait3A_13 = tpu.memref_slice %arg9[%dma_wait3A] : memref<10000xi32, #tpu.memory_space<vmem>> -> memref<80xi32, #tpu.memory_space<vmem>>
    %dma_wait3A_14 = arith.constant 0 : i32
    %dma_wait3A_15 = arith.constant 0 : i32
    %dma_wait3A_16 = tpu.memref_slice %arg2[%dma_wait3A_14, %dma_wait3A_15] : memref<10000x128xf32, #tpu.memory_space<hbm>> -> memref<10000x128xf32, #tpu.memory_space<hbm>>
    tpu.wait_indirect_dma semaphore(%arg14 : memref<!tpu.dma_semaphore, #tpu.memory_space<semaphore_mem>>) src(%dma_wait3A_16 : memref<10000x128xf32, #tpu.memory_space<hbm>>) dst(%arg11 : memref<80x128xf32, #tpu.memory_space<vmem>>)
    %run_scoped3A = arith.constant 124 : i32
    "tpu.region"() ({
      %run_scoped3A_22 = tpu.sem_alloc : memref<!tpu.dma_semaphore, #tpu.memory_space<semaphore_mem>>
      %dma_start3A_23 = arith.constant 0 : i32
      %dma_start3A_24 = tpu.memref_slice %arg10[%run_scoped3A, %dma_start3A_23] : memref<125x80xi32, #tpu.memory_space<vmem>> -> memref<1x80xi32, #tpu.memory_space<vmem>>
      %dma_start3A_25 = tpu.memref_squeeze %dma_start3A_24 : memref<1x80xi32, #tpu.memory_space<vmem>> -> memref<80xi32, #tpu.memory_space<vmem>>
      %dma_start3A_26 = arith.constant 0 : i32
      %dma_start3A_27 = arith.constant 0 : i32
      %dma_start3A_28 = tpu.memref_slice %arg13[%dma_start3A_26, %dma_start3A_27] : memref<10240x128xf32, #tpu.memory_space<vmem_shared>> -> memref<10240x128xf32, #tpu.memory_space<vmem_shared>>
      tpu.enqueue_indirect_dma source(%arg11 : memref<80x128xf32, #tpu.memory_space<vmem>>) target(%dma_start3A_28 : memref<10240x128xf32, #tpu.memory_space<vmem_shared>>) offsets(%dma_start3A_25 : memref<80xi32, #tpu.memory_space<vmem>>) semaphore(%run_scoped3A_22 : memref<!tpu.dma_semaphore, #tpu.memory_space<semaphore_mem>>) {add = true}
      %dma_wait3A_29 = arith.constant 0 : i32
      %dma_wait3A_30 = tpu.memref_slice %arg10[%run_scoped3A, %dma_wait3A_29] : memref<125x80xi32, #tpu.memory_space<vmem>> -> memref<1x80xi32, #tpu.memory_space<vmem>>
      %dma_wait3A_31 = tpu.memref_squeeze %dma_wait3A_30 : memref<1x80xi32, #tpu.memory_space<vmem>> -> memref<80xi32, #tpu.memory_space<vmem>>
      %dma_wait3A_32 = arith.constant 0 : i32
      %dma_wait3A_33 = arith.constant 0 : i32
      %dma_wait3A_34 = tpu.memref_slice %arg13[%dma_wait3A_32, %dma_wait3A_33] : memref<10240x128xf32, #tpu.memory_space<vmem_shared>> -> memref<10240x128xf32, #tpu.memory_space<vmem_shared>>
      tpu.wait_indirect_dma semaphore(%run_scoped3A_22 : memref<!tpu.dma_semaphore, #tpu.memory_space<semaphore_mem>>) src(%arg11 : memref<80x128xf32, #tpu.memory_space<vmem>>) dst(%dma_wait3A_34 : memref<10240x128xf32, #tpu.memory_space<vmem_shared>>)
      tpu.yield
    }) : () -> ()
    %barrier3A_17 = arith.constant 0 : index
    tpu.barrier barrier_id(%barrier3A_17)
    %mul3A_18 = arith.constant 640 : i32
    %mul3A_19 = arith.muli %arg1, %mul3A_18 : i32
    %mul3A_20 = arith.constant 640 : i32
    %mul3A_21 = arith.muli %arg1, %mul3A_20 : i32
    "tpu.region"() ({
      %run_scoped3A_22 = tpu.sem_alloc : memref<!tpu.dma_semaphore, #tpu.memory_space<semaphore_mem>>
      %dma_start3A_23 = arith.constant 0 : i32
      %dma_start3A_24 = arith.constant 0 : i32
      %dma_start3A_25 = tpu.memref_slice %arg8[%arg0, %dma_start3A_23, %dma_start3A_24] : memref<2x10240x128xf32, #tpu.memory_space<hbm>> -> memref<1x10240x128xf32, #tpu.memory_space<hbm>>
      %dma_start3A_26 = tpu.memref_squeeze %dma_start3A_25 : memref<1x10240x128xf32, #tpu.memory_space<hbm>> -> memref<10240x128xf32, #tpu.memory_space<hbm>>
      %dma_start3A_27 = arith.constant 0 : i32
      %dma_start3A_28 = tpu.memref_slice %dma_start3A_26[%mul3A_21, %dma_start3A_27] : memref<10240x128xf32, #tpu.memory_space<hbm>> -> memref<640x128xf32, #tpu.memory_space<hbm>>
      %dma_start3A_29 = arith.constant 0 : i32
      %dma_start3A_30 = tpu.memref_slice %arg13[%mul3A_19, %dma_start3A_29] : memref<10240x128xf32, #tpu.memory_space<vmem_shared>> -> memref<640x128xf32, #tpu.memory_space<vmem_shared>>
      tpu.enqueue_dma source(%dma_start3A_30 : memref<640x128xf32, #tpu.memory_space<vmem_shared>>) target(%dma_start3A_28 : memref<640x128xf32, #tpu.memory_space<hbm>>) target_semaphore(%run_scoped3A_22 : memref<!tpu.dma_semaphore, #tpu.memory_space<semaphore_mem>>)
      %dma_wait3A_31 = arith.constant 0 : i32
      %dma_wait3A_32 = arith.constant 0 : i32
      %dma_wait3A_33 = tpu.memref_slice %arg8[%arg0, %dma_wait3A_31, %dma_wait3A_32] : memref<2x10240x128xf32, #tpu.memory_space<hbm>> -> memref<1x10240x128xf32, #tpu.memory_space<hbm>>
      %dma_wait3A_34 = tpu.memref_squeeze %dma_wait3A_33 : memref<1x10240x128xf32, #tpu.memory_space<hbm>> -> memref<10240x128xf32, #tpu.memory_space<hbm>>
      %dma_wait3A_35 = arith.constant 0 : i32
      %dma_wait3A_36 = tpu.memref_slice %dma_wait3A_34[%mul3A_21, %dma_wait3A_35] : memref<10240x128xf32, #tpu.memory_space<hbm>> -> memref<640x128xf32, #tpu.memory_space<hbm>>
      %dma_wait3A_37 = arith.constant 0 : i32
      %dma_wait3A_38 = tpu.memref_slice %arg13[%mul3A_19, %dma_wait3A_37] : memref<10240x128xf32, #tpu.memory_space<vmem_shared>> -> memref<640x128xf32, #tpu.memory_space<vmem_shared>>
      tpu.wait_dma2 semaphore(%run_scoped3A_22 : memref<!tpu.dma_semaphore, #tpu.memory_space<semaphore_mem>>) src(%dma_wait3A_38 : memref<640x128xf32, #tpu.memory_space<vmem_shared>>) dst(%dma_wait3A_36 : memref<640x128xf32, #tpu.memory_space<hbm>>)
      tpu.yield
    }) : () -> ()
    return
  }
}

module attributes {stable_mosaic.version = 14 : i64} {
  func.func @_layer_tc_body(%arg0: i32, %arg1: memref<2x1024x128xf32, #tpu.memory_space<vmem>>, %arg2: memref<1x2x1024xf32, #tpu.memory_space<vmem>>, %arg3: memref<1024x128xf32, #tpu.memory_space<vmem>>, %arg4: memref<128x128xf32, #tpu.memory_space<vmem>>, %arg5: memref<1x128xf32, #tpu.memory_space<vmem>>, %arg6: memref<128x128xf32, #tpu.memory_space<vmem>>, %arg7: memref<1024x128xf32, #tpu.memory_space<vmem>>) attributes {dimension_semantics = [#tpu.dimension_semantics<arbitrary>], iteration_bounds = array<i64: 10>, scalar_prefetch = 0 : i64, scratch_operands = 0 : i64, tpu.core_type = #tpu.core_type<tc>, window_params = [{transform_indices = @transform_0, window_bounds = array<i64: 2, 1024, 128>}, {transform_indices = @transform_1, window_bounds = array<i64: 1, 2, 1024>}, {transform_indices = @transform_2, window_bounds = array<i64: 1024, 128>}, {pipeline_mode = #tpu.pipeline_mode<synchronous>, transform_indices = @transform_3, window_bounds = array<i64: 128, 128>}, {pipeline_mode = #tpu.pipeline_mode<synchronous>, transform_indices = @transform_4, window_bounds = array<i64: 1, 128>}, {pipeline_mode = #tpu.pipeline_mode<synchronous>, transform_indices = @transform_5, window_bounds = array<i64: 128, 128>}, {transform_indices = @transform_6, window_bounds = array<i64: 1024, 128>}]} {
    %get3A = arith.constant 0 : index
    %get3A_0 = arith.constant 0 : index
    %get3A_1 = arith.constant 0 : index
    %get3A_2 = vector.load %arg1[%get3A, %get3A_0, %get3A_1] : memref<2x1024x128xf32, #tpu.memory_space<vmem>>, vector<1x1024x128xf32>
    %get3A_3 = vector.shape_cast %get3A_2 : vector<1x1024x128xf32> to vector<1024x128xf32>
    %get3A_4 = arith.constant 1 : index
    %get3A_5 = arith.constant 0 : index
    %get3A_6 = arith.constant 0 : index
    %get3A_7 = vector.load %arg1[%get3A_4, %get3A_5, %get3A_6] : memref<2x1024x128xf32, #tpu.memory_space<vmem>>, vector<1x1024x128xf32>
    %get3A_8 = vector.shape_cast %get3A_7 : vector<1x1024x128xf32> to vector<1024x128xf32>
    %add3A = arith.addf %get3A_3, %get3A_8 : vector<1024x128xf32>
    %get3A_9 = arith.constant 0 : index
    %get3A_10 = arith.constant 0 : index
    %get3A_11 = arith.constant 0 : index
    %get3A_12 = vector.load %arg2[%get3A_9, %get3A_10, %get3A_11] : memref<1x2x1024xf32, #tpu.memory_space<vmem>>, vector<1x1x1024xf32>
    %get3A_13 = vector.shape_cast %get3A_12 : vector<1x1x1024xf32> to vector<1024xf32>
    %get3A_14 = arith.constant 0 : index
    %get3A_15 = arith.constant 1 : index
    %get3A_16 = arith.constant 0 : index
    %get3A_17 = vector.load %arg2[%get3A_14, %get3A_15, %get3A_16] : memref<1x2x1024xf32, #tpu.memory_space<vmem>>, vector<1x1x1024xf32>
    %get3A_18 = vector.shape_cast %get3A_17 : vector<1x1x1024xf32> to vector<1024xf32>
    %add3A_19 = arith.addf %get3A_13, %get3A_18 : vector<1024xf32>
    %broadcast_in_dim3A = vector.shape_cast %add3A_19 : vector<1024xf32> to vector<1024x1xf32>
    %max3A = arith.constant 1.000000e+00 : f32
    %max3A_20 = vector.broadcast %max3A : f32 to vector<1024x1xf32>
    %max3A_21 = arith.maximumf %broadcast_in_dim3A, %max3A_20 : vector<1024x1xf32>
    %div3A = vector.broadcast %max3A_21 : vector<1024x1xf32> to vector<1024x128xf32>
    %div3A_22 = arith.divf %add3A, %div3A : vector<1024x128xf32>
    %get3A_23 = arith.constant 0 : index
    %get3A_24 = arith.constant 0 : index
    %get3A_25 = vector.load %arg4[%get3A_23, %get3A_24] : memref<128x128xf32, #tpu.memory_space<vmem>>, vector<128x128xf32>
    %dot_general3A = arith.constant dense<0.000000e+00> : vector<1024x128xf32>
    %dot_general3A_26 = tpu.matmul %div3A_22, %get3A_25, %dot_general3A {dimension_numbers = #tpu.dot_dimension_numbers<[1], [0], [0], [1], [0, 0, 1, 1], [], []>, transpose_lhs_hint = false} : vector<1024x128xf32>, vector<128x128xf32>, vector<1024x128xf32> -> vector<1024x128xf32>
    %get3A_27 = arith.constant 0 : index
    %get3A_28 = arith.constant 0 : index
    %get3A_29 = vector.load %arg3[%get3A_27, %get3A_28] : memref<1024x128xf32, #tpu.memory_space<vmem>>, vector<1024x128xf32>
    %get3A_30 = arith.constant 0 : index
    %get3A_31 = arith.constant 0 : index
    %get3A_32 = vector.load %arg6[%get3A_30, %get3A_31] : memref<128x128xf32, #tpu.memory_space<vmem>>, vector<128x128xf32>
    %dot_general3A_33 = arith.constant dense<0.000000e+00> : vector<1024x128xf32>
    %dot_general3A_34 = tpu.matmul %get3A_29, %get3A_32, %dot_general3A_33 {dimension_numbers = #tpu.dot_dimension_numbers<[1], [0], [0], [1], [0, 0, 1, 1], [], []>, transpose_lhs_hint = false} : vector<1024x128xf32>, vector<128x128xf32>, vector<1024x128xf32> -> vector<1024x128xf32>
    %add3A_35 = arith.addf %dot_general3A_26, %dot_general3A_34 : vector<1024x128xf32>
    %get3A_36 = arith.constant 0 : index
    %get3A_37 = arith.constant 0 : index
    %get3A_38 = vector.load %arg5[%get3A_36, %get3A_37] : memref<1x128xf32, #tpu.memory_space<vmem>>, vector<1x128xf32>
    %add3A_39 = vector.broadcast %get3A_38 : vector<1x128xf32> to vector<1024x128xf32>
    %add3A_40 = arith.addf %add3A_35, %add3A_39 : vector<1024x128xf32>
    %max3A_41 = arith.constant 0.000000e+00 : f32
    %max3A_42 = vector.broadcast %max3A_41 : f32 to vector<1024x128xf32>
    %max3A_43 = arith.maximumf %add3A_40, %max3A_42 : vector<1024x128xf32>
    %swap3A = arith.constant 0 : index
    %swap3A_44 = arith.constant 0 : index
    %swap3A_45 = vector.load %arg7[%swap3A, %swap3A_44] : memref<1024x128xf32, #tpu.memory_space<vmem>>, vector<1024x128xf32>
    tpu.vector_store %arg7[%swap3A, %swap3A_44], %max3A_43 {strides = array<i32>} : memref<1024x128xf32, #tpu.memory_space<vmem>>, vector<1024x128xf32>,
    return
  }
  func.func @transform_0(%arg0: i32) -> (i32, i32, i32) {
    %c0_i32 = arith.constant 0 : i32
    %c0_i32_0 = arith.constant 0 : i32
    %c0_i32_1 = arith.constant 0 : i32
    return %c0_i32, %arg0, %c0_i32_0 : i32, i32, i32
  }
  func.func @transform_1(%arg0: i32) -> (i32, i32, i32) {
    %c0_i32 = arith.constant 0 : i32
    %c0_i32_0 = arith.constant 0 : i32
    %c0_i32_1 = arith.constant 0 : i32
    return %arg0, %c0_i32, %c0_i32_0 : i32, i32, i32
  }
  func.func @transform_2(%arg0: i32) -> (i32, i32) {
    %c0_i32 = arith.constant 0 : i32
    %c0_i32_0 = arith.constant 0 : i32
    return %arg0, %c0_i32 : i32, i32
  }
  func.func @transform_3(%arg0: i32) -> (i32, i32) {
    %c0_i32 = arith.constant 0 : i32
    %c0_i32_0 = arith.constant 0 : i32
    %c0_i32_1 = arith.constant 0 : i32
    return %c0_i32, %c0_i32_0 : i32, i32
  }
  func.func @transform_4(%arg0: i32) -> (i32, i32) {
    %c0_i32 = arith.constant 0 : i32
    %c0_i32_0 = arith.constant 0 : i32
    %c0_i32_1 = arith.constant 0 : i32
    return %c0_i32, %c0_i32_0 : i32, i32
  }
  func.func @transform_5(%arg0: i32) -> (i32, i32) {
    %c0_i32 = arith.constant 0 : i32
    %c0_i32_0 = arith.constant 0 : i32
    %c0_i32_1 = arith.constant 0 : i32
    return %c0_i32, %c0_i32_0 : i32, i32
  }
  func.func @transform_6(%arg0: i32) -> (i32, i32) {
    %c0_i32 = arith.constant 0 : i32
    %c0_i32_0 = arith.constant 0 : i32
    return %arg0, %c0_i32 : i32, i32
  }
}

module attributes {stable_mosaic.version = 14 : i64} {
  func.func @_layer_tc_body(%arg0: i32, %arg1: memref<2x1024x128xf32, #tpu.memory_space<vmem>>, %arg2: memref<1x2x1024xf32, #tpu.memory_space<vmem>>, %arg3: memref<1024x128xf32, #tpu.memory_space<vmem>>, %arg4: memref<128x128xf32, #tpu.memory_space<vmem>>, %arg5: memref<1x128xf32, #tpu.memory_space<vmem>>, %arg6: memref<128x128xf32, #tpu.memory_space<vmem>>, %arg7: memref<1024x128xf32, #tpu.memory_space<vmem>>) attributes {dimension_semantics = [#tpu.dimension_semantics<arbitrary>], iteration_bounds = array<i64: 10>, scalar_prefetch = 0 : i64, scratch_operands = 0 : i64, tpu.core_type = #tpu.core_type<tc>, window_params = [{transform_indices = @transform_0, window_bounds = array<i64: 2, 1024, 128>}, {transform_indices = @transform_1, window_bounds = array<i64: 1, 2, 1024>}, {transform_indices = @transform_2, window_bounds = array<i64: 1024, 128>}, {pipeline_mode = #tpu.pipeline_mode<synchronous>, transform_indices = @transform_3, window_bounds = array<i64: 128, 128>}, {pipeline_mode = #tpu.pipeline_mode<synchronous>, transform_indices = @transform_4, window_bounds = array<i64: 1, 128>}, {pipeline_mode = #tpu.pipeline_mode<synchronous>, transform_indices = @transform_5, window_bounds = array<i64: 128, 128>}, {transform_indices = @transform_6, window_bounds = array<i64: 1024, 128>}]} {
    %get3A = arith.constant 0 : index
    %get3A_0 = arith.constant 0 : index
    %get3A_1 = arith.constant 0 : index
    %get3A_2 = vector.load %arg1[%get3A, %get3A_0, %get3A_1] : memref<2x1024x128xf32, #tpu.memory_space<vmem>>, vector<1x1024x128xf32>
    %get3A_3 = vector.shape_cast %get3A_2 : vector<1x1024x128xf32> to vector<1024x128xf32>
    %get3A_4 = arith.constant 1 : index
    %get3A_5 = arith.constant 0 : index
    %get3A_6 = arith.constant 0 : index
    %get3A_7 = vector.load %arg1[%get3A_4, %get3A_5, %get3A_6] : memref<2x1024x128xf32, #tpu.memory_space<vmem>>, vector<1x1024x128xf32>
    %get3A_8 = vector.shape_cast %get3A_7 : vector<1x1024x128xf32> to vector<1024x128xf32>
    %add3A = arith.addf %get3A_3, %get3A_8 : vector<1024x128xf32>
    %get3A_9 = arith.constant 0 : index
    %get3A_10 = arith.constant 0 : index
    %get3A_11 = arith.constant 0 : index
    %get3A_12 = vector.load %arg2[%get3A_9, %get3A_10, %get3A_11] : memref<1x2x1024xf32, #tpu.memory_space<vmem>>, vector<1x1x1024xf32>
    %get3A_13 = vector.shape_cast %get3A_12 : vector<1x1x1024xf32> to vector<1024xf32>
    %get3A_14 = arith.constant 0 : index
    %get3A_15 = arith.constant 1 : index
    %get3A_16 = arith.constant 0 : index
    %get3A_17 = vector.load %arg2[%get3A_14, %get3A_15, %get3A_16] : memref<1x2x1024xf32, #tpu.memory_space<vmem>>, vector<1x1x1024xf32>
    %get3A_18 = vector.shape_cast %get3A_17 : vector<1x1x1024xf32> to vector<1024xf32>
    %add3A_19 = arith.addf %get3A_13, %get3A_18 : vector<1024xf32>
    %broadcast_in_dim3A = vector.shape_cast %add3A_19 : vector<1024xf32> to vector<1024x1xf32>
    %max3A = arith.constant 1.000000e+00 : f32
    %max3A_20 = vector.broadcast %max3A : f32 to vector<1024x1xf32>
    %max3A_21 = arith.maximumf %broadcast_in_dim3A, %max3A_20 : vector<1024x1xf32>
    %div3A = vector.broadcast %max3A_21 : vector<1024x1xf32> to vector<1024x128xf32>
    %div3A_22 = arith.divf %add3A, %div3A : vector<1024x128xf32>
    %get3A_23 = arith.constant 0 : index
    %get3A_24 = arith.constant 0 : index
    %get3A_25 = vector.load %arg4[%get3A_23, %get3A_24] : memref<128x128xf32, #tpu.memory_space<vmem>>, vector<128x128xf32>
    %dot_general3A = arith.constant dense<0.000000e+00> : vector<1024x128xf32>
    %dot_general3A_26 = tpu.matmul %div3A_22, %get3A_25, %dot_general3A {dimension_numbers = #tpu.dot_dimension_numbers<[1], [0], [0], [1], [0, 0, 1, 1], [], []>, transpose_lhs_hint = false} : vector<1024x128xf32>, vector<128x128xf32>, vector<1024x128xf32> -> vector<1024x128xf32>
    %get3A_27 = arith.constant 0 : index
    %get3A_28 = arith.constant 0 : index
    %get3A_29 = vector.load %arg3[%get3A_27, %get3A_28] : memref<1024x128xf32, #tpu.memory_space<vmem>>, vector<1024x128xf32>
    %get3A_30 = arith.constant 0 : index
    %get3A_31 = arith.constant 0 : index
    %get3A_32 = vector.load %arg6[%get3A_30, %get3A_31] : memref<128x128xf32, #tpu.memory_space<vmem>>, vector<128x128xf32>
    %dot_general3A_33 = arith.constant dense<0.000000e+00> : vector<1024x128xf32>
    %dot_general3A_34 = tpu.matmul %get3A_29, %get3A_32, %dot_general3A_33 {dimension_numbers = #tpu.dot_dimension_numbers<[1], [0], [0], [1], [0, 0, 1, 1], [], []>, transpose_lhs_hint = false} : vector<1024x128xf32>, vector<128x128xf32>, vector<1024x128xf32> -> vector<1024x128xf32>
    %add3A_35 = arith.addf %dot_general3A_26, %dot_general3A_34 : vector<1024x128xf32>
    %get3A_36 = arith.constant 0 : index
    %get3A_37 = arith.constant 0 : index
    %get3A_38 = vector.load %arg5[%get3A_36, %get3A_37] : memref<1x128xf32, #tpu.memory_space<vmem>>, vector<1x128xf32>
    %add3A_39 = vector.broadcast %get3A_38 : vector<1x128xf32> to vector<1024x128xf32>
    %add3A_40 = arith.addf %add3A_35, %add3A_39 : vector<1024x128xf32>
    %max3A_41 = arith.constant 0.000000e+00 : f32
    %max3A_42 = vector.broadcast %max3A_41 : f32 to vector<1024x128xf32>
    %max3A_43 = arith.maximumf %add3A_40, %max3A_42 : vector<1024x128xf32>
    %swap3A = arith.constant 0 : index
    %swap3A_44 = arith.constant 0 : index
    %swap3A_45 = vector.load %arg7[%swap3A, %swap3A_44] : memref<1024x128xf32, #tpu.memory_space<vmem>>, vector<1024x128xf32>
    tpu.vector_store %arg7[%swap3A, %swap3A_44], %max3A_43 {strides = array<i32>} : memref<1024x128xf32, #tpu.memory_space<vmem>>, vector<1024x128xf32>,
    return
  }
  func.func @transform_0(%arg0: i32) -> (i32, i32, i32) {
    %c0_i32 = arith.constant 0 : i32
    %c0_i32_0 = arith.constant 0 : i32
    %c0_i32_1 = arith.constant 0 : i32
    return %c0_i32, %arg0, %c0_i32_0 : i32, i32, i32
  }
  func.func @transform_1(%arg0: i32) -> (i32, i32, i32) {
    %c0_i32 = arith.constant 0 : i32
    %c0_i32_0 = arith.constant 0 : i32
    %c0_i32_1 = arith.constant 0 : i32
    return %arg0, %c0_i32, %c0_i32_0 : i32, i32, i32
  }
  func.func @transform_2(%arg0: i32) -> (i32, i32) {
    %c0_i32 = arith.constant 0 : i32
    %c0_i32_0 = arith.constant 0 : i32
    return %arg0, %c0_i32 : i32, i32
  }
  func.func @transform_3(%arg0: i32) -> (i32, i32) {
    %c0_i32 = arith.constant 0 : i32
    %c0_i32_0 = arith.constant 0 : i32
    %c0_i32_1 = arith.constant 0 : i32
    return %c0_i32, %c0_i32_0 : i32, i32
  }
  func.func @transform_4(%arg0: i32) -> (i32, i32) {
    %c0_i32 = arith.constant 0 : i32
    %c0_i32_0 = arith.constant 0 : i32
    %c0_i32_1 = arith.constant 0 : i32
    return %c0_i32, %c0_i32_0 : i32, i32
  }
  func.func @transform_5(%arg0: i32) -> (i32, i32) {
    %c0_i32 = arith.constant 0 : i32
    %c0_i32_0 = arith.constant 0 : i32
    %c0_i32_1 = arith.constant 0 : i32
    return %c0_i32, %c0_i32_0 : i32, i32
  }
  func.func @transform_6(%arg0: i32) -> (i32, i32) {
    %c0_i32 = arith.constant 0 : i32
    %c0_i32_0 = arith.constant 0 : i32
    return %arg0, %c0_i32 : i32, i32
  }
}

</mosaic_0001>

<sc_bundles>
// kernel: sage_agg.3.cloned.1.call-start
scs
__scs_entry_jumppad:
0x0: {  	(pc) =	sbr.rel $0x88, $3  }
0x1: {  	(tag) =	ssettag $0x0;
	lr =	simm.s32 $0x1  }
0x2: {  	[smem:$0x3F99] =	sst lr;
	_ =	strace $0xD0000000  }
0x3: {  	_ = 	snop  }
0x4: {  	_ = 	snop  }
0x5: {  	_ = 	snop  }
0x6: {  	_ = 	snop  }
0x7: {  	_ = 	snop  }
__scs_overlays_trampoline_lowered:
0x8: {  	[smem:$0x3FA8] =	sst s0  }
0x9: {  	[smem:$0x3FA9] =	sst s1  }
0xa: {  	[smem:$0x3FAA] =	sst s2  }
0xb: {  	[smem:$0x3FAB] =	sst s3  }
0xc: {  	[smem:$0x3FAC] =	sst s4  }
0xd: {  	[smem:$0x3FAD] =	sst s5  }
0xe: {  	[smem:$0x3FAE] =	sst s6  }
0xf: {  	[smem:$0x3FAF] =	sst s7  }
0x10: {  	[smem:$0x3FB0] =	sst s8  }
0x11: {  	[smem:$0x3FB1] =	sst s9;
	s0 =	simm.s32 @!p0 $0x0  }
0x12: {  	s1 =	sld [smem:$0x3F97];
	s0 =	simm.s32 @p0 $0x1  }
0x13: {  	[smem:$0x3FB2] =	sst s0;
	s0 =	simm.s32 @!p1 $0x0  }
0x14: {  	s2 =	sld [smem:$0x3F96];
	s0 =	simm.s32 @p1 $0x1  }
0x15: {  	[smem:$0x3FB3] =	sst s0;
	s0 =	simm.s32 @!p2 $0x0  }
0x16: {  	s3 =	sld [smem:$0x3FDB];
	s0 =	simm.s32 @p2 $0x1  }
0x17: {  	s4 =	simm.s32 $0x1BF5;
	[smem:$0x3FB5] =	sst s0  }
0x18: {  	s0 =	sld [smem:$0x3F98];
	_ =	swait.ge [sflag:s4], $0x0  }
0x19: {  	s7 =	sld [smem:$0x3F99]  }
0x1a: {  	s8 =	sadd.s32 $0xFFFFE003, lr  }
0x1b: {  	s9 =	sadd.s32 $0xFFFFFEF7, lr;
	s5 =	simm.s32 $0xFFFFFFFF;
	p2 =	slt.u32 s8, $0xFFFFF086  }
0x1c: {  	p1 =	slt.u32 s9, $0xF7A;
	s5 =	simm.s32 @!p2 $0x0  }
0x1d: {  	s5 =	simm.s32 @p1 $0x1;
	p0 =	seq.s32 s7, s2  }
0x1e: {  	s7 =	smul.u32 @!p0 $0xF7A, s2;
	p2 =	seq.s32 @!p0 s5, $0x0  }
0x1f: {  	s9 =	smul.u32 $0xF7A, s1;
	s8 =	simm.s32 @!p0 $0x1BF5;
	p2 =	por !p2, p0  }
0x20: {  	[sflag:s8] =	ssyncset.s32 @!p0 $0xFFFFF086;
	s6 =	sadd.s32 @!p0 s3, s7;
	s7 =	simm.s32 @!p0 $0x108  }
0x21: {  	s3 =	sadd.s32 s3, s9;
	s6 =	sadd.s32 @!p0 $0x88, s6;
	s7 =	simm.s32 @p2 $0x1082  }
0x22: {  	[simem:s7], [sflag:s8] =	dma.local @!p0 [hbm:s6], $0xF7A  }
0x23: {  	s9 =	sor.u32 $0xD0000000, s2;
	s6 =	simm.s32 $0x108;
	_ =	swait.ge @!p0 [sflag:s8], $0x0  }
0x24: {  	s3 =	sadd.s32 $0x88, s3;
	s6 =	simm.s32 @!p1 $0x1082;
	[sflag:s4] =	ssyncset.s32 $0xFFFFF086  }
0x25: {  	[simem:s6], [sflag:s4] =	dma.local [hbm:s3], $0xF7A  }
0x26: {  	[smem:$0x3F99] =	sst s1;
	(tag) =	ssettag s2;
	_ =	strace s9  }
0x27: {  	s1 =	sld [smem:$0x3FA9]  }
0x28: {  	s2 =	sld [smem:$0x3FAA]  }
0x29: {  	s4 =	sld [smem:$0x3FAC]  }
0x2a: {  	p0 =	seq.s32 s5, $0x0;
	s5 =	sld [smem:$0x3FAD]  }
0x2b: {  	s6 =	sld [smem:$0x3FAE]  }
0x2c: {  	s7 =	sld [smem:$0x3FAF]  }
0x2d: {  	s3 =	simm.s32 $0x108;
	s8 =	sld [smem:$0x3FB0]  }
0x2e: {  	s3 =	simm.s32 @!p0 $0x1082;
	s9 =	sld [smem:$0x3FB1]  }
0x2f: {  	lr =	sadd.s32 s0, s3;
	s0 =	sld [smem:$0x3FA8]  }
0x30: {  	s3 =	sld [smem:$0x3FAB]  }
0x31: {  	[smem:$0x3FB4] =	sst s10  }
0x32: {  	s10 =	sld [smem:$0x3FB2];
	_ =	sdelay $0x3  }
0x33: {  	p0 =	seq.s32 s10, $0x1;
	s10 =	sld [smem:$0x3FB4];
	_ =	sdelay $0x3  }
0x34: {  	[smem:$0x3FB4] =	sst s10  }
0x35: {  	s10 =	sld [smem:$0x3FB3];
	_ =	sdelay $0x3  }
0x36: {  	p1 =	seq.s32 s10, $0x1;
	s10 =	sld [smem:$0x3FB4];
	_ =	sdelay $0x3  }
0x37: {  	[smem:$0x3FB4] =	sst s10  }
0x38: {  	s10 =	sld [smem:$0x3FB5]  }
0x39: {  	_ = 	snop;
	(pc) =	sbr.ind lr, $3  }
0x3a: {  	_ = 	snop  }
0x3b: {  	_ = 	snop  }
0x3c: {  	p2 =	seq.s32 s10, $0x1;
	s10 =	sld [smem:$0x3FB4]  }
0x3d: {  	_ =	shalt  }
0x3e: {  	_ =	shalt  }
0x3f: {  	_ =	shalt  }
0x40: {  	_ =	shalt  }
0x41: {  	_ =	shalt  }
0x42: {  	_ =	shalt  }
0x43: {  	_ =	shalt  }
0x44: {  	_ =	shalt  }
0x45: {  	_ =	shalt  }
0x46: {  	_ =	shalt  }
0x47: {  	_ =	shalt  }
0x48: {  	_ =	shalt  }
0x49: {  	_ =	shalt  }
0x4a: {  	_ =	shalt  }
0x4b: {  	_ =	shalt  }
0x4c: {  	_ =	shalt  }
0x4d: {  	_ =	shalt  }
0x4e: {  	_ =	shalt  }
0x4f: {  	_ =	shalt  }
0x50: {  	_ =	shalt  }
0x51: {  	_ =	shalt  }
0x52: {  	_ =	shalt  }
0x53: {  	_ =	shalt  }
0x54: {  	_ =	shalt  }
0x55: {  	_ =	shalt  }
0x56: {  	_ =	shalt  }
0x57: {  	_ =	shalt  }
0x58: {  	_ =	shalt  }
0x59: {  	_ =	shalt  }
0x5a: {  	_ =	shalt  }
0x5b: {  	_ =	shalt  }
0x5c: {  	_ =	shalt  }
0x5d: {  	_ =	shalt  }
0x5e: {  	_ =	shalt  }
0x5f: {  	_ =	shalt  }
0x60: {  	_ =	shalt  }
0x61: {  	_ =	shalt  }
0x62: {  	_ =	shalt  }
0x63: {  	_ =	shalt  }
0x64: {  	_ =	shalt  }
0x65: {  	_ =	shalt  }
0x66: {  	_ =	shalt  }
0x67: {  	_ =	shalt  }
0x68: {  	_ =	shalt  }
0x69: {  	_ =	shalt  }
0x6a: {  	_ =	shalt  }
0x6b: {  	_ =	shalt  }
0x6c: {  	_ =	shalt  }
0x6d: {  	_ =	shalt  }
0x6e: {  	_ =	shalt  }
0x6f: {  	_ =	shalt  }
0x70: {  	_ =	shalt  }
0x71: {  	_ =	shalt  }
0x72: {  	_ =	shalt  }
0x73: {  	_ =	shalt  }
0x74: {  	_ =	shalt  }
0x75: {  	_ =	shalt  }
0x76: {  	_ =	shalt  }
0x77: {  	_ =	shalt  }
0x78: {  	_ =	shalt  }
0x79: {  	_ =	shalt  }
0x7a: {  	_ =	shalt  }
0x7b: {  	_ =	shalt  }
0x7c: {  	_ =	shalt  }
0x7d: {  	_ =	shalt  }
0x7e: {  	_ =	shalt  }
0x7f: {  	_ =	shalt  }
0x80: {  	_ =	shalt  }
0x81: {  	_ =	shalt  }
0x82: {  	_ =	shalt  }
0x83: {  	_ =	shalt  }
0x84: {  	_ =	shalt  }
0x85: {  	_ =	shalt  }
0x86: {  	_ =	shalt  }
0x87: {  	_ =	shalt  }
.Lfunc_end0:
.L_simem_size_0:
called_computation.1_lowered:
.L_overlay_start_0:
0x88: {  	s2 =	sld [smem:$0x3FD9]  }
0x89: {  	s3 =	sld [smem:$0x3FFE];
	_ =	sdelay $0x1  }
0x8a: {  	s1 =	srdreg.scid  }
0x8b: {  	s0 =	sand.u32 $0x1, s1  }
0x8c: {  	s17 =	sshll.u32 s0, $0xA;
	s2 =	sadd.s32 s3, s2  }
0x8d: {  	s2 =	sadd.s32 s2, s17  }
0x8e: {  	[smem:$0x3FC0] =	sst s2  }
0x8f: {  	_ = 	snop  }
0x90: {  	s2 =	sld [smem:$0x3FD0];
	(tm) =	ssettm $0x1  }
0x91: {  	s18 =	sld [smem:$0x3FFB];
	_ =	sdelay $0x3  }
0x92: {  	_ =	strace s18  }
0x93: {  	s3 =	sld [smem:$0x3FFC];
	_ =	sdelay $0x3  }
0x94: {  	_ =	strace s3  }
0x95: {  	s3 =	sld [smem:$0x3FFD];
	_ =	sdelay $0x3  }
0x96: {  	_ =	strace s3  }
0x97: {  	_ =	strace $0x8FFFFFFF  }
0x98: {  	s19 =	sld [smem:$0x3FDB];
	_ =	sdelay $0x1  }
0x99: {  	s4 =	simm.s32 $_scs_section_size  }
0x9a: {  	s5 =	simm.s32 $_size__tile_overlayer_lowered;
	s6 =	simm.s32 $_tile_overlayer_lowered  }
0x9b: {  	s22 =	simm.s32 $0x1BFF;
	s21 =	sshll.u32 s6, $0x1;
	s3 =	sadd.s32 s4, s19  }
0x9c: {  	s7 =	simm.s32 $0x0;
	s20 =	sshll.u32 s5, $0x1;
	s5 =	sadd.s32 s21, s3  }
0x9d: {  	[timem:s7], [sflag:s22] =	dma.local [hbm:s5], s20  }
0x9e: {  	_ =	swait.ge [sflag:s22], s20  }
0x9f: {  	s4 =	ssub.s32 $0x0, s20;
	[sflag:s22] =	ssyncset.done $0x0  }
0xa0: {  	[sflag:s22] =	ssyncadd.s32 s4;
	_ =	sdelay $0x1  }
0xa1: {  	s23 =	simm.s32 $0x1B8B  }
0xa2: {  	_ =	swait.ge [sflag:s23], $0x1  }
0xa3: {  	[sflag:s23] =	ssyncset.done $0x0  }
0xa4: {  	s25 =	simm.s32 $0x1B8E;
	s24 =	sld [smem:$0x3FFE];
	[sflag:s23] =	ssyncadd.s32 $0xFFFFFFFF  }
0xa5: {  	s26 =	simm.s32 $execute0_lowered;
	[smem:$0x3FD2] =	sst s25  }
0xa6: {  	s5 =	sshll.u32 s26, $0x1;
	_ =	strace $0x80000049;
	[dreg:$0x1] =	wrdreg $0xFFFFFFFF  }
0xa7: {  	s28 =	simm.s32 $_size_execute0_lowered;
	s3 =	sadd.s32 s3, s5;
	[dreg:$0x0] =	wrdreg $0x0  }
0xa8: {  	s5 =	sshll.u32 s28, $0x1;
	[dreg:$0x2] =	wrdreg s3  }
0xa9: {  	[dreg:$0x3] =	wrdreg s5  }
0xaa: {  	[dreg:$0x4] =	wrdreg $0xC0  }
0xab: {  	_ =	task [dreg:s7], $0x5FFFF  }
0xac: {  	[dreg:$0x1] =	wrdreg $0xFFFFFFFF  }
0xad: {  	[dreg:$0x0] =	wrdreg $0x60  }
0xae: {  	[dreg:$0x2] =	wrdreg s2  }
0xaf: {  	[dreg:$0x3] =	wrdreg s24  }
0xb0: {  	[dreg:$0x4] =	wrdreg $0xB7800  }
0xb1: {  	[dreg:$0x5] =	wrdreg $0x9  }
0xb2: {  	_ =	task.clear_ibuf [dreg:s7], $0x6FFFF;
	_ =	strace $0x90000049  }
0xb3: {  	s29 =	simm.s32 $0x9;
	_ =	strace $0x8000004B  }
0xb4: {  	_ =	swait.ge [sflag:s29], $0x1  }
0xb5: {  	[sflag:s29] =	ssyncadd.s32 $0xFFFFFFFF  }
0xb6: {  	_ =	strace $0x9000004B  }
0xb7: {  	_ =	sfence  }
0xb8: {  	s30 =	sld [smem:$0x0];
	_ =	sdelay $0x2  }
0xb9: {  	s31 =	sshll.u32 s1, $0xD;
	s1 =	sshrl.u32 s1, $0x2  }
0xba: {  	s3 =	sand.u32 $0x4000, s31;
	s1 =	sadd.s32 s1, s30  }
0xbb: {  	s0 =	sor.u32 s3, s0;
	s1 =	sshll.u32 s1, $0x11  }
0xbc: {  	s0 =	sor.u32 s1, s0  }
0xbd: {  	s0 =	sadd.s32 $0x8F2B, s0  }
0xbe: {  	[sflag:s0] =	ssyncadd.remote.s32 $0x1  }
0xbf: {  	_ =	sfence.sel $0xFFFF  }
0xc0: {  	[dreg:$0x0] =	wrdreg $0xFFFFFFFF;
	(pc) =	sbr.abs _section_cstart, $3  }
0xc1: {  	[dreg:$0x1] =	wrdreg $0xFFFFFFFF  }
0xc2: {  	_ =	task.clear_ibuf [dreg:s7], $0x2FFFF;
	_ =	strace $0x9FFFFFFF  }
0xc3: {  	(tm) =	ssettm $0x7FFFFFFF  }
tec
execute0_lowered:
.L_overlay_start_1:
0x0: {  	(tag) =	ssettag $0x1  }
0x1: {  	s1 =	rddreg [dreg:$0x0]  }
0x2: {  	s7 =	rddreg [dreg:$0x1]  }
0x3: {  	s0 =	srdreg.scid;
	s3 =	rddreg [dreg:$0x2];
	s4 =	simm.s32 $0x0  }
0x4: {  	s14 =	simm.s32 $0x2780;
	s15 =	simm.s32 $0x6780;
	s16 =	simm.s32 $0x50  }
0x5: {  	s17 =	simm.s32 $0x8F80;
	s18 =	simm.s32 $0x1;
	s19 =	simm.s32 $0x2  }
0x6: {  	s20 =	simm.s32 $0x6580;
	s6 =	sand.u32 $0x1, s0;
	s0 =	stileid.u32  }
0x7: {  	[smem:$0x7FF] =	sst s4;
	s2 =	sshll.u32 s6, $0x4;
	s30 =	smul.u32 $0x28000, s6  }
0x8: {  	s9 =	sshll.u32 s0, $0x7;
	s11 =	smul.u32 $0x50000, s0;
	s6 =	ssub.s32 $0x2, s6  }
0x9: {  	s12 =	sshll.u32 s0, $0x6;
	s22 =	smul.u32 $0x2800, s0;
	s5 =	sor.u32 s0, s2  }
0xa: {  	s2 =	rddreg [dreg:$0x3];
	s9 =	sand.u32 $0x380, s9;
	_ =	strace $0x8000004A  }
0xb: {  	s31 =	sshrl.u32 s6, $0x1;
	s8 =	sshrl.u32 s5, $0x3;
	s5 =	sshll.u32 s5, $0xB  }
0xc: {  	s11 =	sshrl.u32 s11, $0x2;
	s13 =	ssub.s32 s6, s31;
	s8 =	smul.u32 $0x13C00, s8  }
0xd: {  	s6 =	sor.u32 $0x1C03, s12;
	s12 =	simm.s32 $0x80;
	s10 =	sadd.s32 s5, s7  }
0xe: {  	s5 =	sadd.s32 $0x1C600, s7;
	s8 =	sor.u32 s9, s8;
	s9 =	sadd.s32 s30, s7  }
0xf: {  	s11 =	sadd.s32 s11, s3;
	s8 =	sshrl.u32 s8, $0x3;
	s21 =	sadd.s32 $0x1EE00, s9  }
0x10: {  	s9 =	smax.u32 s13, $0x1;
	s13 =	simm.s32 $0x400;
	s8 =	sadd.s32 s8, s7  }
0x11: {  	s21 =	sadd.s32 s22, s21;
	s22 =	simm.s32 $0x0;
	s7 =	sadd.s32 $0x12400, s8  }
0x12: {  	s8 =	sadd.s32 $0x2400, s10;
	s10 =	sshrl.u32 s11, $0x3;
	s11 =	simm.s32 $0x3  }
.LBB2_1:
0x13: {  	[spmem:s10], [sflag:s6] =	dma.local [hbm:s5], $0x2800  }
0x14: {  	_ =	swait.ge [sflag:s11], $0x2800  }
0x15: {  	[sflag:s11] =	ssyncset.done $0x0  }
0x16: {  	[sflag:s11] =	ssyncadd.s32 $0xFFFFD800  }
0x17: {  	[tilespmem:s4], [sflag:$0x3] =	stream.strided.gather [hbm4b:s7+s12], $0x2780, s13, s12, $0x38;
	[tilespmem:$0x1F780] =	vst v63  }
0x18: {  	_ =	swait.ge [sflag:s11], $0x2780  }
0x19: {  	[sflag:s11] =	ssyncset.done $0x0  }
0x1a: {  	[sflag:s11] =	ssyncadd.s32 $0xFFFFD880  }
0x1b: {  	[tilespmem:s14], [sflag:$0x3] =	stream.linear.gather [hbm4b:s8+s4], $0x3E80, $0x38;
	[tilespmem:$0x1F780] =	vst v63  }
0x1c: {  	_ =	swait.ge [sflag:s11], $0x3E80  }
0x1d: {  	[sflag:s11] =	ssyncset.done $0x0  }
0x1e: {  	[sflag:s11] =	ssyncadd.s32 $0xFFFFC180  }
0x1f: {  	[bflag:$0x0] =	sbarrier.arrive $0xFFFF  }
0x20: {  	[tilespmem:s15], [sflag:$0x1] =	stream.indirect.gather [hbm4b:s1+s16], $0x80, s4, s16, $0xb8;
	[tilespmem:$0x1F780] =	vst v63  }
0x21: {  	_ = 	snop  }
0x22: {  	[tilespmem:s17], [sflag:$0x2] =	stream.indirect.gather [hbm4b:s1+s16], $0x80, s16, s16, $0xb8;
	[tilespmem:$0x1F780] =	vst v63  }
0x23: {  	_ =	swait.ge [sflag:s18], $0x2800  }
0x24: {  	[sflag:s18] =	ssyncset.done $0x0  }
0x25: {  	s23 =	simm.s32 $0x2780;
	[sflag:s18] =	ssyncadd.s32 $0xFFFFD800  }
0x26: {  	[spmem:s3] =	stream.indirect.scatter.add.f32 [tilespmem:s15], [sflag:$0x3], $0x80, s23, s16, $0xb8;
	[tilespmem:$0x1F780] =	vst v63  }
0x27: {  	_ =	swait.ge [sflag:s11], $0x2800  }
0x28: {  	[sflag:s11] =	ssyncset.done $0x0  }
0x29: {  	s30 =	simm.s32 $0xA0;
	[sflag:s11] =	ssyncadd.s32 $0xFFFFD800  }
0x2a: {  	[tilespmem:s15], [sflag:$0x1] =	stream.indirect.gather [hbm4b:s1+s16], $0x80, s30, s16, $0xb8;
	[tilespmem:$0x1F780] =	vst v63  }
0x2b: {  	_ =	swait.ge [sflag:s19], $0x2800  }
0x2c: {  	[sflag:s19] =	ssyncset.done $0x0  }
0x2d: {  	s31 =	simm.s32 $0x2800;
	[sflag:s19] =	ssyncadd.s32 $0xFFFFD800  }
0x2e: {  	[spmem:s3] =	stream.indirect.scatter.add.f32 [tilespmem:s17], [sflag:$0x3], $0x80, s31, s16, $0xb8;
	[tilespmem:$0x1F780] =	vst v63  }
0x2f: {  	_ =	swait.ge [sflag:s11], $0x2800  }
0x30: {  	s24 =	simm.s32 $0x50;
	s23 =	simm.s32 $0x400;
	[sflag:s11] =	ssyncset.done $0x0  }
.LBB2_2:
0x31: {  	p0 =	sne.s32 s23, $0xF400;
	[sflag:s11] =	ssyncadd.s32 $0xFFFFD800;
	s24 =	sadd.s32 $0xA0, s24  }
0x32: {  	[tilespmem:s17], [sflag:$0x2] =	stream.indirect.gather [hbm4b:s1+s16], $0x80, s24, s16, $0xb8;
	[tilespmem:$0x1F780] =	vst v63  }
0x33: {  	s25 =	smov.u32 s23;
	s23 =	sadd.s32 $0x400, s23;
	_ =	swait.ge [sflag:s18], $0x2800  }
0x34: {  	s25 =	sshra.s32 s25, $0x2;
	[sflag:s18] =	ssyncset.done $0x0  }
0x35: {  	s26 =	sadd.s32 $0x2780, s25;
	[sflag:s18] =	ssyncadd.s32 $0xFFFFD800  }
0x36: {  	[spmem:s3] =	stream.indirect.scatter.add.f32 [tilespmem:s15], [sflag:$0x3], $0x80, s26, s16, $0xb8;
	[tilespmem:$0x1F780] =	vst v63  }
0x37: {  	_ =	swait.ge [sflag:s11], $0x2800  }
0x38: {  	[sflag:s11] =	ssyncset.done $0x0  }
0x39: {  	s26 =	sadd.s32 $0x50, s24;
	[sflag:s11] =	ssyncadd.s32 $0xFFFFD800  }
0x3a: {  	[tilespmem:s15], [sflag:$0x1] =	stream.indirect.gather [hbm4b:s1+s16], $0x80, s26, s16, $0xb8;
	[tilespmem:$0x1F780] =	vst v63  }
0x3b: {  	_ =	swait.ge [sflag:s19], $0x2800  }
.Ltmp0:
0x3c: {  	[sflag:s19] =	ssyncset.done $0x0;
	(pc) =	sbr.rel @p0 .LBB2_2-.Ltmp0, $4  }
0x3d: {  	s25 =	sadd.s32 $0x2800, s25;
	[sflag:s19] =	ssyncadd.s32 $0xFFFFD800  }
0x3e: {  	[spmem:s3] =	stream.indirect.scatter.add.f32 [tilespmem:s17], [sflag:$0x3], $0x80, s25, s16, $0xb8;
	[tilespmem:$0x1F780] =	vst v63  }
0x3f: {  	_ =	swait.ge [sflag:s11], $0x2800  }
0x40: {  	[sflag:s11] =	ssyncset.done $0x0  }
0x41: {  	[sflag:s11] =	ssyncadd.s32 $0xFFFFD800  }
0x42: {  	_ =	swait.ge [sflag:s18], $0x2800  }
0x43: {  	[sflag:s18] =	ssyncset.done $0x0  }
0x44: {  	[sflag:s18] =	ssyncadd.s32 $0xFFFFD800  }
0x45: {  	[spmem:s3] =	stream.indirect.scatter.add.f32 [tilespmem:s15], [sflag:$0x3], $0x80, s20, s16, $0xb8;
	[tilespmem:$0x1F780] =	vst v63  }
0x46: {  	_ =	swait.ge [sflag:s11], $0x2800  }
0x47: {  	s22 =	sadd.s32 $0x1, s22;
	[sflag:s11] =	ssyncset.done $0x0  }
0x48: {  	p0 =	sne.s32 s22, s9;
	[sflag:s11] =	ssyncadd.s32 $0xFFFFD800  }
.Ltmp1:
0x49: {  	[bflag:$0x0] =	sbarrier.arrive $0xFFFF;
	(pc) =	sbr.rel @p0 .LBB2_1-.Ltmp1, $4  }
0x4a: {  	[hbm:s21], [sflag:s6] =	dma.local [spmem:s10], $0x2800  }
0x4b: {  	_ =	swait.ge [sflag:s11], $0x2800  }
0x4c: {  	[sflag:s11] =	ssyncset.done $0x0  }
0x4d: {  	[sflag:s11] =	ssyncadd.s32 $0xFFFFD800  }
0x4e: {  	_ =	sfence.sel $0x180000  }
0x4f: {  	[bflag:$0x0] =	sbarrier.arrive $0xFFFF  }
0x50: {  	p0 =	sne.s32 s0, $0x0;
	_ =	strace $0x9000004A  }
0x51: {  	s0 =	sadd.s32 @!p0 $0x100000, s2;
	[bflag:$0x2] =	sbarrier.arrive $0xFFFF  }
0x52: {  	[sflag:s0] =	ssyncadd.tile.s32 @!p0 $0x1;
	_ =	shalt  }
.Lfunc_end2:
_tile_overlayer_lowered:
.L_overlay_start_2:
0x53: {  	(tag) =	ssettag $0x2  }
0x54: {  	s0 =	rddreg [dreg:$0x0];
	s2 =	stileid.u32  }
0x55: {  	s1 =	rddreg [dreg:$0x1];
	p0 =	sne.s32 s2, $0x0  }
0x56: {  	s3 =	rddreg [dreg:$0x2];
	[bflag:$0x3] =	sbarrier.arrive $0xFFFF;
	s2 =	simm.s32 @!p0 $0x1C03  }
0x57: {  	[timem:s3], [sflag:s2] =	dma.local @!p0 [hbm:s0], s1  }
0x58: {  	s0 =	simm.s32 @!p0 $0x3  }
0x59: {  	_ =	swait.ge @!p0 [sflag:s0], s1  }
0x5a: {  	s1 =	ssub.s32 @!p0 $0x0, s1;
	[sflag:s0] =	ssyncset.done @!p0 $0x0  }
0x5b: {  	[sflag:s0] =	ssyncadd.s32 @!p0 s1  }
0x5c: {  	[bflag:$0x3] =	sbarrier.arrive $0xFFFF  }
0x5d: {  	_ =	shalt  }

// kernel: sage_agg_cnt.3.cloned.1.call-start
scs
__scs_entry_jumppad:
0x0: {  	(pc) =	sbr.rel $0x88, $3  }
0x1: {  	(tag) =	ssettag $0x0;
	lr =	simm.s32 $0x1  }
0x2: {  	[smem:$0x3F99] =	sst lr;
	_ =	strace $0xD0000000  }
0x3: {  	_ = 	snop  }
0x4: {  	_ = 	snop  }
0x5: {  	_ = 	snop  }
0x6: {  	_ = 	snop  }
0x7: {  	_ = 	snop  }
__scs_overlays_trampoline_lowered:
0x8: {  	[smem:$0x3FA8] =	sst s0  }
0x9: {  	[smem:$0x3FA9] =	sst s1  }
0xa: {  	[smem:$0x3FAA] =	sst s2  }
0xb: {  	[smem:$0x3FAB] =	sst s3  }
0xc: {  	[smem:$0x3FAC] =	sst s4  }
0xd: {  	[smem:$0x3FAD] =	sst s5  }
0xe: {  	[smem:$0x3FAE] =	sst s6  }
0xf: {  	[smem:$0x3FAF] =	sst s7  }
0x10: {  	[smem:$0x3FB0] =	sst s8  }
0x11: {  	[smem:$0x3FB1] =	sst s9;
	s0 =	simm.s32 @!p0 $0x0  }
0x12: {  	s1 =	sld [smem:$0x3F97];
	s0 =	simm.s32 @p0 $0x1  }
0x13: {  	[smem:$0x3FB2] =	sst s0;
	s0 =	simm.s32 @!p1 $0x0  }
0x14: {  	s2 =	sld [smem:$0x3F96];
	s0 =	simm.s32 @p1 $0x1  }
0x15: {  	[smem:$0x3FB3] =	sst s0;
	s0 =	simm.s32 @!p2 $0x0  }
0x16: {  	s3 =	sld [smem:$0x3FDB];
	s0 =	simm.s32 @p2 $0x1  }
0x17: {  	s4 =	simm.s32 $0x1BF5;
	[smem:$0x3FB5] =	sst s0  }
0x18: {  	s0 =	sld [smem:$0x3F98];
	_ =	swait.ge [sflag:s4], $0x0  }
0x19: {  	s7 =	sld [smem:$0x3F99]  }
0x1a: {  	s8 =	sadd.s32 $0xFFFFE003, lr  }
0x1b: {  	s9 =	sadd.s32 $0xFFFFFEF7, lr;
	s5 =	simm.s32 $0xFFFFFFFF;
	p2 =	slt.u32 s8, $0xFFFFF086  }
0x1c: {  	p1 =	slt.u32 s9, $0xF7A;
	s5 =	simm.s32 @!p2 $0x0  }
0x1d: {  	s5 =	simm.s32 @p1 $0x1;
	p0 =	seq.s32 s7, s2  }
0x1e: {  	s7 =	smul.u32 @!p0 $0xF7A, s2;
	p2 =	seq.s32 @!p0 s5, $0x0  }
0x1f: {  	s9 =	smul.u32 $0xF7A, s1;
	s8 =	simm.s32 @!p0 $0x1BF5;
	p2 =	por !p2, p0  }
0x20: {  	[sflag:s8] =	ssyncset.s32 @!p0 $0xFFFFF086;
	s6 =	sadd.s32 @!p0 s3, s7;
	s7 =	simm.s32 @!p0 $0x108  }
0x21: {  	s3 =	sadd.s32 s3, s9;
	s6 =	sadd.s32 @!p0 $0x88, s6;
	s7 =	simm.s32 @p2 $0x1082  }
0x22: {  	[simem:s7], [sflag:s8] =	dma.local @!p0 [hbm:s6], $0xF7A  }
0x23: {  	s9 =	sor.u32 $0xD0000000, s2;
	s6 =	simm.s32 $0x108;
	_ =	swait.ge @!p0 [sflag:s8], $0x0  }
0x24: {  	s3 =	sadd.s32 $0x88, s3;
	s6 =	simm.s32 @!p1 $0x1082;
	[sflag:s4] =	ssyncset.s32 $0xFFFFF086  }
0x25: {  	[simem:s6], [sflag:s4] =	dma.local [hbm:s3], $0xF7A  }
0x26: {  	[smem:$0x3F99] =	sst s1;
	(tag) =	ssettag s2;
	_ =	strace s9  }
0x27: {  	s1 =	sld [smem:$0x3FA9]  }
0x28: {  	s2 =	sld [smem:$0x3FAA]  }
0x29: {  	s4 =	sld [smem:$0x3FAC]  }
0x2a: {  	p0 =	seq.s32 s5, $0x0;
	s5 =	sld [smem:$0x3FAD]  }
0x2b: {  	s6 =	sld [smem:$0x3FAE]  }
0x2c: {  	s7 =	sld [smem:$0x3FAF]  }
0x2d: {  	s3 =	simm.s32 $0x108;
	s8 =	sld [smem:$0x3FB0]  }
0x2e: {  	s3 =	simm.s32 @!p0 $0x1082;
	s9 =	sld [smem:$0x3FB1]  }
0x2f: {  	lr =	sadd.s32 s0, s3;
	s0 =	sld [smem:$0x3FA8]  }
0x30: {  	s3 =	sld [smem:$0x3FAB]  }
0x31: {  	[smem:$0x3FB4] =	sst s10  }
0x32: {  	s10 =	sld [smem:$0x3FB2];
	_ =	sdelay $0x3  }
0x33: {  	p0 =	seq.s32 s10, $0x1;
	s10 =	sld [smem:$0x3FB4];
	_ =	sdelay $0x3  }
0x34: {  	[smem:$0x3FB4] =	sst s10  }
0x35: {  	s10 =	sld [smem:$0x3FB3];
	_ =	sdelay $0x3  }
0x36: {  	p1 =	seq.s32 s10, $0x1;
	s10 =	sld [smem:$0x3FB4];
	_ =	sdelay $0x3  }
0x37: {  	[smem:$0x3FB4] =	sst s10  }
0x38: {  	s10 =	sld [smem:$0x3FB5]  }
0x39: {  	_ = 	snop;
	(pc) =	sbr.ind lr, $3  }
0x3a: {  	_ = 	snop  }
0x3b: {  	_ = 	snop  }
0x3c: {  	p2 =	seq.s32 s10, $0x1;
	s10 =	sld [smem:$0x3FB4]  }
0x3d: {  	_ =	shalt  }
0x3e: {  	_ =	shalt  }
0x3f: {  	_ =	shalt  }
0x40: {  	_ =	shalt  }
0x41: {  	_ =	shalt  }
0x42: {  	_ =	shalt  }
0x43: {  	_ =	shalt  }
0x44: {  	_ =	shalt  }
0x45: {  	_ =	shalt  }
0x46: {  	_ =	shalt  }
0x47: {  	_ =	shalt  }
0x48: {  	_ =	shalt  }
0x49: {  	_ =	shalt  }
0x4a: {  	_ =	shalt  }
0x4b: {  	_ =	shalt  }
0x4c: {  	_ =	shalt  }
0x4d: {  	_ =	shalt  }
0x4e: {  	_ =	shalt  }
0x4f: {  	_ =	shalt  }
0x50: {  	_ =	shalt  }
0x51: {  	_ =	shalt  }
0x52: {  	_ =	shalt  }
0x53: {  	_ =	shalt  }
0x54: {  	_ =	shalt  }
0x55: {  	_ =	shalt  }
0x56: {  	_ =	shalt  }
0x57: {  	_ =	shalt  }
0x58: {  	_ =	shalt  }
0x59: {  	_ =	shalt  }
0x5a: {  	_ =	shalt  }
0x5b: {  	_ =	shalt  }
0x5c: {  	_ =	shalt  }
0x5d: {  	_ =	shalt  }
0x5e: {  	_ =	shalt  }
0x5f: {  	_ =	shalt  }
0x60: {  	_ =	shalt  }
0x61: {  	_ =	shalt  }
0x62: {  	_ =	shalt  }
0x63: {  	_ =	shalt  }
0x64: {  	_ =	shalt  }
0x65: {  	_ =	shalt  }
0x66: {  	_ =	shalt  }
0x67: {  	_ =	shalt  }
0x68: {  	_ =	shalt  }
0x69: {  	_ =	shalt  }
0x6a: {  	_ =	shalt  }
0x6b: {  	_ =	shalt  }
0x6c: {  	_ =	shalt  }
0x6d: {  	_ =	shalt  }
0x6e: {  	_ =	shalt  }
0x6f: {  	_ =	shalt  }
0x70: {  	_ =	shalt  }
0x71: {  	_ =	shalt  }
0x72: {  	_ =	shalt  }
0x73: {  	_ =	shalt  }
0x74: {  	_ =	shalt  }
0x75: {  	_ =	shalt  }
0x76: {  	_ =	shalt  }
0x77: {  	_ =	shalt  }
0x78: {  	_ =	shalt  }
0x79: {  	_ =	shalt  }
0x7a: {  	_ =	shalt  }
0x7b: {  	_ =	shalt  }
0x7c: {  	_ =	shalt  }
0x7d: {  	_ =	shalt  }
0x7e: {  	_ =	shalt  }
0x7f: {  	_ =	shalt  }
0x80: {  	_ =	shalt  }
0x81: {  	_ =	shalt  }
0x82: {  	_ =	shalt  }
0x83: {  	_ =	shalt  }
0x84: {  	_ =	shalt  }
0x85: {  	_ =	shalt  }
0x86: {  	_ =	shalt  }
0x87: {  	_ =	shalt  }
.Lfunc_end0:
.L_simem_size_0:
called_computation_lowered:
.L_overlay_start_0:
0x88: {  	s2 =	sld [smem:$0x3FD9]  }
0x89: {  	s3 =	sld [smem:$0x3FFE];
	_ =	sdelay $0x1  }
0x8a: {  	s1 =	srdreg.scid  }
0x8b: {  	s0 =	sand.u32 $0x1, s1  }
0x8c: {  	s17 =	sshll.u32 s0, $0xA;
	s2 =	sadd.s32 s3, s2  }
0x8d: {  	s2 =	sadd.s32 s2, s17  }
0x8e: {  	[smem:$0x3FC0] =	sst s2  }
0x8f: {  	_ = 	snop  }
0x90: {  	s2 =	sld [smem:$0x3FC9];
	(tm) =	ssettm $0x1  }
0x91: {  	s18 =	sld [smem:$0x3FFB];
	_ =	sdelay $0x3  }
0x92: {  	_ =	strace s18  }
0x93: {  	s3 =	sld [smem:$0x3FFC];
	_ =	sdelay $0x3  }
0x94: {  	_ =	strace s3  }
0x95: {  	s3 =	sld [smem:$0x3FFD];
	_ =	sdelay $0x3  }
0x96: {  	_ =	strace s3  }
0x97: {  	_ =	strace $0x8FFFFFFF  }
0x98: {  	s19 =	sld [smem:$0x3FDB];
	_ =	sdelay $0x1  }
0x99: {  	s4 =	simm.s32 $_scs_section_size  }
0x9a: {  	s5 =	simm.s32 $_size__tile_overlayer_lowered;
	s6 =	simm.s32 $_tile_overlayer_lowered  }
0x9b: {  	s22 =	simm.s32 $0x1BFF;
	s21 =	sshll.u32 s6, $0x1;
	s3 =	sadd.s32 s4, s19  }
0x9c: {  	s7 =	simm.s32 $0x0;
	s20 =	sshll.u32 s5, $0x1;
	s5 =	sadd.s32 s21, s3  }
0x9d: {  	[timem:s7], [sflag:s22] =	dma.local [hbm:s5], s20  }
0x9e: {  	_ =	swait.ge [sflag:s22], s20  }
0x9f: {  	s4 =	ssub.s32 $0x0, s20;
	[sflag:s22] =	ssyncset.done $0x0  }
0xa0: {  	[sflag:s22] =	ssyncadd.s32 s4;
	_ =	sdelay $0x1  }
0xa1: {  	s23 =	simm.s32 $0x1B8B  }
0xa2: {  	_ =	swait.ge [sflag:s23], $0x1  }
0xa3: {  	[sflag:s23] =	ssyncset.done $0x0  }
0xa4: {  	s25 =	simm.s32 $0x1B8E;
	s24 =	sld [smem:$0x3FFE];
	[sflag:s23] =	ssyncadd.s32 $0xFFFFFFFF  }
0xa5: {  	s26 =	simm.s32 $execute0_lowered;
	[smem:$0x3FD2] =	sst s25  }
0xa6: {  	s5 =	sshll.u32 s26, $0x1;
	_ =	strace $0x80000046;
	[dreg:$0x1] =	wrdreg $0xFFFFFFFF  }
0xa7: {  	s28 =	simm.s32 $_size_execute0_lowered;
	s3 =	sadd.s32 s3, s5;
	[dreg:$0x0] =	wrdreg $0x0  }
0xa8: {  	s5 =	sshll.u32 s28, $0x1;
	[dreg:$0x2] =	wrdreg s3  }
0xa9: {  	[dreg:$0x3] =	wrdreg s5  }
0xaa: {  	[dreg:$0x4] =	wrdreg $0xC0  }
0xab: {  	_ =	task [dreg:s7], $0x5FFFF  }
0xac: {  	[dreg:$0x1] =	wrdreg $0xFFFFFFFF  }
0xad: {  	[dreg:$0x0] =	wrdreg $0x60  }
0xae: {  	[dreg:$0x2] =	wrdreg s2  }
0xaf: {  	[dreg:$0x3] =	wrdreg s24  }
0xb0: {  	[dreg:$0x4] =	wrdreg $0xB8000  }
0xb1: {  	[dreg:$0x5] =	wrdreg $0x1F8000  }
0xb2: {  	[dreg:$0x6] =	wrdreg $0x9  }
0xb3: {  	_ =	task.clear_ibuf [dreg:s7], $0x7FFFF;
	_ =	strace $0x90000046  }
0xb4: {  	s29 =	simm.s32 $0x9;
	_ =	strace $0x80000048  }
0xb5: {  	_ =	swait.ge [sflag:s29], $0x1  }
0xb6: {  	[sflag:s29] =	ssyncadd.s32 $0xFFFFFFFF  }
0xb7: {  	_ =	strace $0x90000048  }
0xb8: {  	_ =	sfence  }
0xb9: {  	s30 =	sld [smem:$0x0];
	_ =	sdelay $0x2  }
0xba: {  	s31 =	sshll.u32 s1, $0xD;
	s1 =	sshrl.u32 s1, $0x2  }
0xbb: {  	s3 =	sand.u32 $0x4000, s31;
	s1 =	sadd.s32 s1, s30  }
0xbc: {  	s0 =	sor.u32 s3, s0;
	s1 =	sshll.u32 s1, $0x11  }
0xbd: {  	s0 =	sor.u32 s1, s0  }
0xbe: {  	s0 =	sadd.s32 $0x8F2B, s0  }
0xbf: {  	[sflag:s0] =	ssyncadd.remote.s32 $0x1  }
0xc0: {  	_ =	sfence.sel $0xFFFF  }
0xc1: {  	[dreg:$0x0] =	wrdreg $0xFFFFFFFF;
	(pc) =	sbr.abs _section_cstart, $3  }
0xc2: {  	[dreg:$0x1] =	wrdreg $0xFFFFFFFF  }
0xc3: {  	_ =	task.clear_ibuf [dreg:s7], $0x2FFFF;
	_ =	strace $0x9FFFFFFF  }
0xc4: {  	(tm) =	ssettm $0x7FFFFFFF  }
0xc5: {  	_ =	shalt  }
tec
execute0_lowered:
.L_overlay_start_1:
0x0: {  	(tag) =	ssettag $0x1  }
0x1: {  	s1 =	rddreg [dreg:$0x0]  }
0x2: {  	s9 =	rddreg [dreg:$0x1]  }
0x3: {  	s0 =	srdreg.scid;
	s3 =	rddreg [dreg:$0x2]  }
0x4: {  	s18 =	stileid.u32;
	s4 =	rddreg [dreg:$0x3];
	s20 =	simm.s32 $0x6780  }
0x5: {  	s21 =	simm.s32 $0x50;
	s28 =	simm.s32 $0x6580;
	s29 =	simm.s32 $0x3  }
0x6: {  	s30 =	simm.s32 $0x20;
	s31 =	simm.s32 $0x10;
	s13 =	smul.u32 $0x50000, s18  }
0x7: {  	s0 =	sand.u32 $0x1, s0;
	s8 =	sshll.u32 s18, $0x7;
	s14 =	smul.u32 $0xA00, s18  }
0x8: {  	s25 =	sshll.u32 s18, $0x6;
	s22 =	smul.u32 $0x2800, s18;
	s2 =	sshll.u32 s0, $0x4  }
0x9: {  	s8 =	sand.u32 $0x380, s8;
	s12 =	smul.u32 $0x28000, s0;
	s0 =	ssub.s32 $0x2, s0  }
0xa: {  	s6 =	sor.u32 s18, s2;
	s2 =	sadd.s32 s2, s9;
	s23 =	sshrl.u32 s0, $0x1  }
0xb: {  	s24 =	sshrl.u32 s13, $0x2;
	s26 =	sshrl.u32 s14, $0x2;
	s14 =	simm.s32 $0x4  }
0xc: {  	s5 =	sshrl.u32 s6, $0x3;
	s6 =	sshll.u32 s6, $0xB;
	s12 =	sadd.s32 s12, s9  }
0xd: {  	s0 =	ssub.s32 s0, s23;
	s15 =	sadd.s32 s24, s3;
	s16 =	sadd.s32 s26, s4  }
0xe: {  	s2 =	sadd.s32 $0x6EE00, s2;
	s24 =	smul.u32 $0xA0, s18;
	s23 =	simm.s32 $0x8F80  }
0xf: {  	s26 =	simm.s32 $0x2;
	s7 =	smul.u32 $0x13C00, s5;
	s5 =	simm.s32 $0x0  }
0x10: {  	s11 =	sadd.s32 s6, s9;
	s6 =	sadd.s32 $0x1C600, s9;
	s17 =	sadd.s32 $0x1EE00, s12  }
0x11: {  	s12 =	smax.u32 s0, $0x1;
	s13 =	sshrl.u32 s15, $0x3;
	s15 =	sshrl.u32 s16, $0x3  }
0x12: {  	s16 =	simm.s32 $0xB780;
	[smem:$0x7FF] =	sst s5;
	s11 =	sadd.s32 $0x2400, s11  }
0x13: {  	s22 =	sadd.s32 s22, s17;
	s24 =	sadd.s32 s24, s2;
	s7 =	sor.u32 s8, s7  }
0x14: {  	s2 =	simm.s32 $0x0;
	_ =	strace $0x80000047;
	s7 =	sshrl.u32 s7, $0x3  }
0x15: {  	s8 =	sadd.s32 $0x1C200, s9;
	s10 =	sadd.s32 s7, s9;
	s7 =	sadd.s32 $0x1C400, s9  }
0x16: {  	s9 =	sor.u32 $0x1C04, s25;
	s25 =	simm.s32 $0x1;
	s10 =	sadd.s32 $0x12400, s10  }
.LBB2_1:
0x17: {  	[spmem:s13], [sflag:s9] =	dma.local [hbm:s6], $0x2800  }
0x18: {  	_ =	swait.ge [sflag:s14], $0x2800  }
0x19: {  	[sflag:s14] =	ssyncset.done $0x0  }
0x1a: {  	[sflag:s14] =	ssyncadd.s32 $0xFFFFD800  }
0x1b: {  	[spmem:s15], [sflag:s9] =	dma.local [hbm:s7], $0x50  }
0x1c: {  	_ =	swait.ge [sflag:s14], $0x50  }
0x1d: {  	[sflag:s14] =	ssyncset.done $0x0  }
0x1e: {  	[sflag:s14] =	ssyncadd.s32 $0xFFFFFFB0  }
0x1f: {  	[tilespmem:s16], [sflag:$0x4] =	stream.linear.gather [hbm4b:s8+s5], $0x80, $0x38;
	[tilespmem:$0x1FA80] =	vst v63  }
0x20: {  	_ =	swait.ge [sflag:s14], $0x80  }
0x21: {  	[sflag:s14] =	ssyncset.done $0x0  }
0x22: {  	s0 =	simm.s32 $0x80;
	s17 =	simm.s32 $0x400;
	[sflag:s14] =	ssyncadd.s32 $0xFFFFFF80  }
0x23: {  	[tilespmem:s5], [sflag:$0x4] =	stream.strided.gather [hbm4b:s10+s0], $0x2780, s17, s0, $0x38;
	[tilespmem:$0x1FA80] =	vst v63  }
0x24: {  	_ =	swait.ge [sflag:s14], $0x2780  }
0x25: {  	[sflag:s14] =	ssyncset.done $0x0  }
0x26: {  	s19 =	simm.s32 $0x2780;
	[sflag:s14] =	ssyncadd.s32 $0xFFFFD880  }
0x27: {  	[tilespmem:s19], [sflag:$0x4] =	stream.linear.gather [hbm4b:s11+s5], $0x3E80, $0x38;
	[tilespmem:$0x1FA80] =	vst v63  }
0x28: {  	_ =	swait.ge [sflag:s14], $0x3E80  }
0x29: {  	[sflag:s14] =	ssyncset.done $0x0  }
0x2a: {  	[sflag:s14] =	ssyncadd.s32 $0xFFFFC180  }
0x2b: {  	[bflag:$0x0] =	sbarrier.arrive $0xFFFF  }
0x2c: {  	[tilespmem:s20], [sflag:$0x1] =	stream.indirect.gather [hbm4b:s1+s21], $0x80, s5, s21, $0xb8;
	[tilespmem:$0x1FA80] =	vst v63  }
0x2d: {  	_ = 	snop  }
0x2e: {  	[tilespmem:s23], [sflag:$0x2] =	stream.indirect.gather [hbm4b:s1+s21], $0x80, s21, s21, $0xb8;
	[tilespmem:$0x1FA80] =	vst v63  }
0x2f: {  	_ =	swait.ge [sflag:s25], $0x2800  }
0x30: {  	[sflag:s25] =	ssyncset.done $0x0  }
0x31: {  	s17 =	simm.s32 $0x2780;
	[sflag:s25] =	ssyncadd.s32 $0xFFFFD800  }
0x32: {  	[spmem:s4] =	stream.indirect.scatter.add.f32 [tilespmem:s16], [sflag:$0x3], $0x1, s17, s21, $0xb8;
	[tilespmem:$0x1FA80] =	vst v63  }
0x33: {  	_ = 	snop  }
0x34: {  	[spmem:s3] =	stream.indirect.scatter.add.f32 [tilespmem:s20], [sflag:$0x4], $0x80, s17, s21, $0xb8;
	[tilespmem:$0x1FA80] =	vst v63  }
0x35: {  	_ =	swait.ge [sflag:s14], $0x2800  }
0x36: {  	[sflag:s14] =	ssyncset.done $0x0  }
0x37: {  	s18 =	simm.s32 $0xA0;
	[sflag:s14] =	ssyncadd.s32 $0xFFFFD800  }
0x38: {  	[tilespmem:s20], [sflag:$0x1] =	stream.indirect.gather [hbm4b:s1+s21], $0x80, s18, s21, $0xb8;
	[tilespmem:$0x1FA80] =	vst v63  }
0x39: {  	_ =	swait.ge [sflag:s26], $0x2800  }
0x3a: {  	[sflag:s26] =	ssyncset.done $0x0  }
0x3b: {  	s19 =	simm.s32 $0x2800;
	[sflag:s26] =	ssyncadd.s32 $0xFFFFD800  }
0x3c: {  	[spmem:s4] =	stream.indirect.scatter.add.f32 [tilespmem:s16], [sflag:$0x3], $0x1, s19, s21, $0xb8;
	[tilespmem:$0x1FA80] =	vst v63  }
0x3d: {  	_ = 	snop  }
0x3e: {  	[spmem:s3] =	stream.indirect.scatter.add.f32 [tilespmem:s23], [sflag:$0x4], $0x80, s19, s21, $0xb8;
	[tilespmem:$0x1FA80] =	vst v63  }
0x3f: {  	_ =	swait.ge [sflag:s14], $0x2800  }
0x40: {  	s0 =	simm.s32 $0x400;
	s17 =	simm.s32 $0x50;
	[sflag:s14] =	ssyncset.done $0x0  }
.LBB2_2:
0x41: {  	p0 =	sne.s32 s0, $0xF400;
	[sflag:s14] =	ssyncadd.s32 $0xFFFFD800;
	s17 =	sadd.s32 $0xA0, s17  }
0x42: {  	s18 =	smov.u32 s0;
	s0 =	sadd.s32 $0x400, s0  }
0x43: {  	[tilespmem:s23], [sflag:$0x2] =	stream.indirect.gather [hbm4b:s1+s21], $0x80, s17, s21, $0xb8;
	[tilespmem:$0x1FA80] =	vst v63  }
0x44: {  	_ =	swait.ge [sflag:s25], $0x2800  }
0x45: {  	s18 =	sshra.s32 s18, $0x2;
	[sflag:s25] =	ssyncset.done $0x0  }
0x46: {  	s19 =	sadd.s32 $0x2780, s18;
	[sflag:s25] =	ssyncadd.s32 $0xFFFFD800  }
0x47: {  	[spmem:s4] =	stream.indirect.scatter.add.f32 [tilespmem:s16], [sflag:$0x3], $0x1, s19, s21, $0xb8;
	[tilespmem:$0x1FA80] =	vst v63  }
0x48: {  	_ = 	snop  }
0x49: {  	[spmem:s3] =	stream.indirect.scatter.add.f32 [tilespmem:s20], [sflag:$0x4], $0x80, s19, s21, $0xb8;
	[tilespmem:$0x1FA80] =	vst v63  }
0x4a: {  	_ =	swait.ge [sflag:s14], $0x2800  }
0x4b: {  	[sflag:s14] =	ssyncset.done $0x0  }
0x4c: {  	s19 =	sadd.s32 $0x50, s17;
	[sflag:s14] =	ssyncadd.s32 $0xFFFFD800  }
0x4d: {  	[tilespmem:s20], [sflag:$0x1] =	stream.indirect.gather [hbm4b:s1+s21], $0x80, s19, s21, $0xb8;
	[tilespmem:$0x1FA80] =	vst v63  }
0x4e: {  	_ =	swait.ge [sflag:s26], $0x2800  }
0x4f: {  	[sflag:s26] =	ssyncset.done $0x0  }
0x50: {  	s18 =	sadd.s32 $0x2800, s18;
	[sflag:s26] =	ssyncadd.s32 $0xFFFFD800  }
0x51: {  	[spmem:s4] =	stream.indirect.scatter.add.f32 [tilespmem:s16], [sflag:$0x3], $0x1, s18, s21, $0xb8;
	[tilespmem:$0x1FA80] =	vst v63  }
.Ltmp0:
0x52: {  	_ = 	snop;
	(pc) =	sbr.rel @p0 .LBB2_2-.Ltmp0, $4  }
0x53: {  	_ = 	snop  }
0x54: {  	[spmem:s3] =	stream.indirect.scatter.add.f32 [tilespmem:s23], [sflag:$0x4], $0x80, s18, s21, $0xb8;
	[tilespmem:$0x1FA80] =	vst v63  }
0x55: {  	_ =	swait.ge [sflag:s14], $0x2800  }
0x56: {  	[sflag:s14] =	ssyncset.done $0x0  }
0x57: {  	[sflag:s14] =	ssyncadd.s32 $0xFFFFD800  }
0x58: {  	_ =	swait.ge [sflag:s25], $0x2800  }
0x59: {  	[sflag:s25] =	ssyncset.done $0x0  }
0x5a: {  	[sflag:s25] =	ssyncadd.s32 $0xFFFFD800  }
0x5b: {  	[spmem:s4] =	stream.indirect.scatter.add.f32 [tilespmem:s16], [sflag:$0x3], $0x1, s28, s21, $0xb8;
	[tilespmem:$0x1FA80] =	vst v63  }
0x5c: {  	_ = 	snop  }
0x5d: {  	[spmem:s3] =	stream.indirect.scatter.add.f32 [tilespmem:s20], [sflag:$0x4], $0x80, s28, s21, $0xb8;
	[tilespmem:$0x1FA80] =	vst v63  }
0x5e: {  	_ =	swait.ge [sflag:s14], $0x2800  }
0x5f: {  	[sflag:s14] =	ssyncset.done $0x0  }
0x60: {  	[sflag:s14] =	ssyncadd.s32 $0xFFFFD800  }
0x61: {  	_ =	swait.ge [sflag:s29], $0x50  }
0x62: {  	s0 =	simm.s32 $0x7C;
	[sflag:s29] =	ssyncset.done $0x0  }
.LBB2_4:
0x63: {  	p0 =	sne.s32 s0, $0x1;
	s0 =	sadd.s32 $0xFFFFFFFF, s0;
	[sflag:s29] =	ssyncadd.s32 $0xFFFFFFB0  }
.Ltmp1:
0x64: {  	(pc) =	sbr.rel @p0 .LBB2_4-.Ltmp1, $3  }
0x65: {  	_ =	sdelay $0x1  }
0x66: {  	_ =	swait.ge [sflag:s29], $0x50  }
0x67: {  	[sflag:s29] =	ssyncset.done $0x0  }
0x68: {  	[sflag:s29] =	ssyncadd.s32 $0xFFFFFFB0  }
0x69: {  	[bflag:$0x0] =	sbarrier.arrive $0xFFFF  }
0x6a: {  	[hbm:s22], [sflag:s9] =	dma.local [spmem:s13], $0x2800  }
0x6b: {  	s2 =	sadd.s32 $0x1, s2;
	_ =	swait.ge [sflag:s14], $0x2800  }
0x6c: {  	p0 =	sne.s32 s2, s12;
	[sflag:s14] =	ssyncset.done $0x0  }
.Ltmp2:
0x6d: {  	[sflag:s14] =	ssyncadd.s32 $0xFFFFD800;
	(pc) =	sbr.rel @p0 .LBB2_1-.Ltmp2, $4  }
0x6e: {  	[hbm:s24@s30], [sflag:s9] =	dma.strided [spmem:s15@s31], $0x50, s25, $0x10   }
0x6f: {  	_ =	swait.ge [sflag:s14], $0x50  }
0x70: {  	[sflag:s14] =	ssyncset.done $0x0  }
0x71: {  	[sflag:s14] =	ssyncadd.s32 $0xFFFFFFB0  }
0x72: {  	_ =	sfence.sel $0x180000  }
0x73: {  	[bflag:$0x0] =	sbarrier.arrive $0xFFFF  }
0x74: {  	_ =	strace $0x90000047  }
0x75: {  	s0 =	stileid.u32;
	[bflag:$0x2] =	sbarrier.arrive $0xFFFF  }
0x76: {  	p0 =	sne.s32 s0, $0x0;
	s0 =	rddreg [dreg:$0x4]  }
0x77: {  	s0 =	sadd.s32 @!p0 $0x100000, s0  }
0x78: {  	[sflag:s0] =	ssyncadd.tile.s32 @!p0 $0x1;
	_ =	shalt  }
.Lfunc_end2:
_tile_overlayer_lowered:
.L_overlay_start_2:
0x79: {  	(tag) =	ssettag $0x2  }
0x7a: {  	s0 =	rddreg [dreg:$0x0];
	s2 =	stileid.u32  }
0x7b: {  	s1 =	rddreg [dreg:$0x1];
	p0 =	sne.s32 s2, $0x0  }
0x7c: {  	s3 =	rddreg [dreg:$0x2];
	[bflag:$0x3] =	sbarrier.arrive $0xFFFF;
	s2 =	simm.s32 @!p0 $0x1C04  }
0x7d: {  	[timem:s3], [sflag:s2] =	dma.local @!p0 [hbm:s0], s1  }
0x7e: {  	s0 =	simm.s32 @!p0 $0x4  }
0x7f: {  	_ =	swait.ge @!p0 [sflag:s0], s1  }
0x80: {  	s1 =	ssub.s32 @!p0 $0x0, s1;
	[sflag:s0] =	ssyncset.done @!p0 $0x0  }
0x81: {  	[sflag:s0] =	ssyncadd.s32 @!p0 s1  }
0x82: {  	[bflag:$0x3] =	sbarrier.arrive $0xFFFF  }
0x83: {  	_ =	shalt  }

</sc_bundles>
